<compile_context>
chip_gen: v7x
topology: tpu7x:2x2x1
jax: 0.10.2.dev20260603
libtpu: 0.0.44.dev20260713+nightly
codegen_flags: <defaults>
</compile_context>

<pallas_src>
import functools

import jax
import jax.numpy as jnp
from jax import lax
from jax.experimental import pallas as pl
from jax.experimental.pallas import tpu as pltpu
from jax.experimental.pallas import tpu_sc as plsc

BATCH = 4
SEQ = 4096
HIDDEN = 4096
_LANES = 16
_BIG = 1 << 30

_mesh = plsc.VectorSubcoreMesh(core_axis_name="c", subcore_axis_name="s",
                               num_cores=1, num_subcores=BATCH)


def _dyn_gather(x, idx):
    dnums = lax.GatherDimensionNumbers(
        offset_dims=(), collapsed_slice_dims=(0,), start_index_map=(0,))
    return lax.gather(x, idx[:, None], dnums, (1,),
                      mode=lax.GatherScatterMode.PROMISE_IN_BOUNDS)


@functools.partial(
    pl.kernel,
    mesh=_mesh,
    out_type=jax.ShapeDtypeStruct((BATCH, HIDDEN), jnp.float32),
    scratch_types=[
        pltpu.VMEM((SEQ,), jnp.int32),
        pltpu.VMEM((_LANES,), jnp.int32),
        pltpu.VMEM((1, HIDDEN), jnp.float32),
        pltpu.SemaphoreType.DMA,
        pltpu.SemaphoreType.DMA,
    ],
)
def _pool(hs_hbm, ids_hbm, out_hbm, ids_v, idx_v, row_v, sem, sem2):
    wid = lax.axis_index("s")

    @pl.when(wid < BATCH)
    def _():
        b = wid
        half = SEQ // 2
        cp_a = pltpu.make_async_copy(
            ids_hbm.at[b, pl.ds(0, half)], ids_v.at[pl.ds(0, half)], sem)
        cp_b = pltpu.make_async_copy(
            ids_hbm.at[b, pl.ds(half, half)], ids_v.at[pl.ds(half, half)],
            sem2)
        cp_a.start()
        cp_b.start()
        iota = lax.iota(jnp.int32, _LANES)

        def body(i, acc):
            v = ids_v[pl.ds(i * _LANES, _LANES)]
            idx = iota + i * _LANES
            return jnp.minimum(acc, jnp.where(v == 0, idx, jnp.int32(_BIG)))

        cp_a.wait()
        m = lax.fori_loop(0, half // _LANES, body,
                          jnp.full((_LANES,), _BIG, jnp.int32), unroll=8)
        cp_b.wait()
        m = lax.fori_loop(half // _LANES, SEQ // _LANES, body, m, unroll=8)
        for sft in (8, 4, 2, 1):
            m = jnp.minimum(m, _dyn_gather(m, iota ^ sft))
        sl = jnp.where(jnp.logical_or(m == 0, m >= SEQ),
                       jnp.int32(SEQ - 1), m - 1)
        idx_v[...] = sl
        idxs = idx_v.at[pl.ds(0, 1)]
        hh = HIDDEN // 2
        g1 = pltpu.make_async_copy(
            hs_hbm.at[b, :, pl.ds(0, hh)].at[idxs],
            row_v.at[:, pl.ds(0, hh)], sem)
        g2 = pltpu.make_async_copy(
            hs_hbm.at[b, :, pl.ds(hh, hh)].at[idxs],
            row_v.at[:, pl.ds(hh, hh)], sem2)
        g1.start()
        g2.start()
        o1 = pltpu.make_async_copy(
            row_v.at[0, pl.ds(0, hh)], out_hbm.at[b, pl.ds(0, hh)], sem)
        o2 = pltpu.make_async_copy(
            row_v.at[0, pl.ds(hh, hh)], out_hbm.at[b, pl.ds(hh, hh)], sem2)
        g1.wait()
        o1.start()
        g2.wait()
        o2.start()
        o1.wait()
        o2.wait()


def kernel(hidden_states, input_ids):
    ids = input_ids.astype(jnp.int32)
    return _pool(hidden_states, ids)

# --- scband reference (transcript-rebuilt; emitter-appended) ---
"""Pipeline reference for scband-last-token-pooling-15109694947622 (READ-ONLY COPY).

The authoritative reference and input builder live on the scoring server;
editing this copy changes nothing except your own understanding.
"""

import jax, jax.numpy as jnp
import numpy as np

PAD_TOKEN_ID = 0

def setup_inputs(seed: int = 0) -> dict:
    key = jax.random.key(seed)
    k1, k2 = jax.random.split(key)
    hidden_states = jax.random.normal(k1, (4, 4096, 4096), dtype=jnp.float32)
    input_ids = jax.random.randint(k2, (4, 4096), 0, 32000, dtype=jnp.int64)
    return {"hidden_states": hidden_states, "input_ids": input_ids}

def reference(hidden_states, input_ids):
    batch_size = hidden_states.shape[0]
    sequence_lengths = jnp.argmax(jnp.equal(input_ids, PAD_TOKEN_ID).astype(jnp.int32), axis=-1) - 1
    sequence_lengths = sequence_lengths % input_ids.shape[-1]
    pooled = hidden_states[jnp.arange(batch_size), sequence_lengths]
    return pooled

if __name__ == "__main__":
    import jax
    _d = setup_inputs()
    print(jax.jit(kernel)(*tuple(_d.values())))

</pallas_src>

<mosaic_0001>
#map = affine_map<(d0, d1) -> (0, 0, 0)>
#map1 = affine_map<(d0, d1) -> (0, 0)>
module attributes {stable_mosaic.version = 14 : i64} {
  func.func @_pool(%arg0: i32, %arg1: i32, %arg2: memref<4x4096x4096xf32, #tpu.memory_space<hbm>>, %arg3: memref<4x4096xi32, #tpu.memory_space<hbm>>, %arg4: memref<4x4096xf32, #tpu.memory_space<hbm>>, %arg5: memref<4096xi32, #tpu.memory_space<vmem>>, %arg6: memref<16xi32, #tpu.memory_space<vmem>>, %arg7: memref<1x4096xf32, #tpu.memory_space<vmem>>, %arg8: memref<!tpu.dma_semaphore, #tpu.memory_space<semaphore_mem>>, %arg9: memref<!tpu.dma_semaphore, #tpu.memory_space<semaphore_mem>>) attributes {dimension_semantics = [#tpu.dimension_semantics<core_parallel>, #tpu.dimension_semantics<subcore_parallel>], iteration_bounds = array<i64: 1, 4>, scalar_prefetch = 0 : i64, scratch_operands = 5 : i64, tpu.core_type = #tpu.core_type<sc_vector_subcore>, window_params = [{transform_indices = #map}, {transform_indices = #map1}, {transform_indices = #map1}]} {
    %lt3A = arith.constant 4 : i32
    %lt3A_0 = arith.cmpi slt, %arg1, %lt3A : i32
    %convert_element_type3A = arith.extui %lt3A_0 : i1 to i32
    %cond3A = arith.constant 0 : i32
    %cond3A_1 = arith.cmpi ne, %convert_element_type3A, %cond3A : i32
    scf.if %cond3A_1 {
      %dma_start3A = arith.constant 0 : i32
      %dma_start3A_2 = tpu.memref_slice %arg5[%dma_start3A] : memref<4096xi32, #tpu.memory_space<vmem>> -> memref<2048xi32, #tpu.memory_space<vmem>>
      %dma_start3A_3 = arith.constant 0 : i32
      %dma_start3A_4 = tpu.memref_slice %arg3[%arg1, %dma_start3A_3] : memref<4x4096xi32, #tpu.memory_space<hbm>> -> memref<1x2048xi32, #tpu.memory_space<hbm>>
      %dma_start3A_5 = tpu.memref_squeeze %dma_start3A_4 : memref<1x2048xi32, #tpu.memory_space<hbm>> -> memref<2048xi32, #tpu.memory_space<hbm>>
      %dma_start3A_6 = arith.constant 0 : i32
      %dma_start3A_7 = tpu.memref_slice %arg5[%dma_start3A_6] : memref<4096xi32, #tpu.memory_space<vmem>> -> memref<2048xi32, #tpu.memory_space<vmem>>
      %dma_start3A_8 = arith.constant 0 : i32
      %dma_start3A_9 = tpu.memref_slice %arg3[%arg1, %dma_start3A_8] : memref<4x4096xi32, #tpu.memory_space<hbm>> -> memref<1x2048xi32, #tpu.memory_space<hbm>>
      %dma_start3A_10 = tpu.memref_squeeze %dma_start3A_9 : memref<1x2048xi32, #tpu.memory_space<hbm>> -> memref<2048xi32, #tpu.memory_space<hbm>>
      tpu.enqueue_dma source(%dma_start3A_10 : memref<2048xi32, #tpu.memory_space<hbm>>) target(%dma_start3A_7 : memref<2048xi32, #tpu.memory_space<vmem>>) target_semaphore(%arg8 : memref<!tpu.dma_semaphore, #tpu.memory_space<semaphore_mem>>)
      %dma_start3A_11 = arith.constant 2048 : i32
      %dma_start3A_12 = tpu.memref_slice %arg5[%dma_start3A_11] : memref<4096xi32, #tpu.memory_space<vmem>> -> memref<2048xi32, #tpu.memory_space<vmem>>
      %dma_start3A_13 = arith.constant 2048 : i32
      %dma_start3A_14 = tpu.memref_slice %arg3[%arg1, %dma_start3A_13] : memref<4x4096xi32, #tpu.memory_space<hbm>> -> memref<1x2048xi32, #tpu.memory_space<hbm>>
      %dma_start3A_15 = tpu.memref_squeeze %dma_start3A_14 : memref<1x2048xi32, #tpu.memory_space<hbm>> -> memref<2048xi32, #tpu.memory_space<hbm>>
      %dma_start3A_16 = arith.constant 2048 : i32
      %dma_start3A_17 = tpu.memref_slice %arg5[%dma_start3A_16] : memref<4096xi32, #tpu.memory_space<vmem>> -> memref<2048xi32, #tpu.memory_space<vmem>>
      %dma_start3A_18 = arith.constant 2048 : i32
      %dma_start3A_19 = tpu.memref_slice %arg3[%arg1, %dma_start3A_18] : memref<4x4096xi32, #tpu.memory_space<hbm>> -> memref<1x2048xi32, #tpu.memory_space<hbm>>
      %dma_start3A_20 = tpu.memref_squeeze %dma_start3A_19 : memref<1x2048xi32, #tpu.memory_space<hbm>> -> memref<2048xi32, #tpu.memory_space<hbm>>
      tpu.enqueue_dma source(%dma_start3A_20 : memref<2048xi32, #tpu.memory_space<hbm>>) target(%dma_start3A_17 : memref<2048xi32, #tpu.memory_space<vmem>>) target_semaphore(%arg9 : memref<!tpu.dma_semaphore, #tpu.memory_space<semaphore_mem>>)
      %iota3A = tpu.iota {dimensions = array<i32: 0>} : vector<16xi32>
      %dma_wait3A = arith.constant 0 : i32
      %dma_wait3A_21 = tpu.memref_slice %arg5[%dma_wait3A] : memref<4096xi32, #tpu.memory_space<vmem>> -> memref<2048xi32, #tpu.memory_space<vmem>>
      %dma_wait3A_22 = arith.constant 0 : i32
      %dma_wait3A_23 = tpu.memref_slice %arg3[%arg1, %dma_wait3A_22] : memref<4x4096xi32, #tpu.memory_space<hbm>> -> memref<1x2048xi32, #tpu.memory_space<hbm>>
      %dma_wait3A_24 = tpu.memref_squeeze %dma_wait3A_23 : memref<1x2048xi32, #tpu.memory_space<hbm>> -> memref<2048xi32, #tpu.memory_space<hbm>>
      %dma_wait3A_25 = arith.constant 0 : i32
      %dma_wait3A_26 = tpu.memref_slice %arg5[%dma_wait3A_25] : memref<4096xi32, #tpu.memory_space<vmem>> -> memref<2048xi32, #tpu.memory_space<vmem>>
      %dma_wait3A_27 = arith.constant 0 : i32
      %dma_wait3A_28 = tpu.memref_slice %arg3[%arg1, %dma_wait3A_27] : memref<4x4096xi32, #tpu.memory_space<hbm>> -> memref<1x2048xi32, #tpu.memory_space<hbm>>
      %dma_wait3A_29 = tpu.memref_squeeze %dma_wait3A_28 : memref<1x2048xi32, #tpu.memory_space<hbm>> -> memref<2048xi32, #tpu.memory_space<hbm>>
      tpu.wait_dma2 semaphore(%arg8 : memref<!tpu.dma_semaphore, #tpu.memory_space<semaphore_mem>>) src(%dma_wait3A_29 : memref<2048xi32, #tpu.memory_space<hbm>>) dst(%dma_wait3A_26 : memref<2048xi32, #tpu.memory_space<vmem>>)
      %broadcast_in_dim3A = arith.constant 1073741824 : i32
      %broadcast_in_dim3A_30 = vector.broadcast %broadcast_in_dim3A : i32 to vector<16xi32>
      %scan3A = arith.constant 0 : i32
      %scan3A_31 = arith.constant 128 : i32
      %scan3A_32 = arith.addi %scan3A, %scan3A_31 : i32
      %scan3A_33 = arith.constant 8 : i32
      %scan3A_34 = scf.for %scan3A_187 = %scan3A to %scan3A_32 step %scan3A_33 iter_args(%scan3A_188 = %broadcast_in_dim3A_30) -> (vector<16xi32>)  : i32 {
        %mul3A = arith.constant 16 : i32
        %mul3A_189 = arith.muli %scan3A_187, %mul3A : i32
        %get3A = arith.index_cast %mul3A_189 : i32 to index
        %get3A_190 = tpu.vector_load %arg5[%get3A] {strides = array<i32>} : memref<4096xi32, #tpu.memory_space<vmem>>, vector<16xi32>,
        %get3A_191 = vector.shape_cast %get3A_190 : vector<16xi32> to vector<16xi32>
        %mul3A_192 = arith.constant 16 : i32
        %mul3A_193 = arith.muli %scan3A_187, %mul3A_192 : i32
        %add3A = vector.broadcast %mul3A_193 : i32 to vector<16xi32>
        %add3A_194 = arith.addi %iota3A, %add3A : vector<16xi32>
        %eq3A_195 = arith.constant 0 : i32
        %eq3A_196 = vector.broadcast %eq3A_195 : i32 to vector<16xi32>
        %eq3A_197 = arith.cmpi eq, %get3A_191, %eq3A_196 : vector<16xi32>
        %jit3A_198 = arith.constant 1073741824 : i32
        %broadcast_in_dim3A_199 = vector.broadcast %jit3A_198 : i32 to vector<16xi32>
        %select_n3A_200 = arith.select %eq3A_197, %add3A_194, %broadcast_in_dim3A_199 : vector<16xi1>, vector<16xi32>
        %min3A_201 = arith.minsi %scan3A_188, %select_n3A_200 : vector<16xi32>
        %scan3A_202 = arith.constant 1 : i32
        %scan3A_203 = arith.addi %scan3A_187, %scan3A_202 : i32
        %mul3A_204 = arith.constant 16 : i32
        %mul3A_205 = arith.muli %scan3A_203, %mul3A_204 : i32
        %get3A_206 = arith.index_cast %mul3A_205 : i32 to index
        %get3A_207 = tpu.vector_load %arg5[%get3A_206] {strides = array<i32>} : memref<4096xi32, #tpu.memory_space<vmem>>, vector<16xi32>,
        %get3A_208 = vector.shape_cast %get3A_207 : vector<16xi32> to vector<16xi32>
        %mul3A_209 = arith.constant 16 : i32
        %mul3A_210 = arith.muli %scan3A_203, %mul3A_209 : i32
        %add3A_211 = vector.broadcast %mul3A_210 : i32 to vector<16xi32>
        %add3A_212 = arith.addi %iota3A, %add3A_211 : vector<16xi32>
        %eq3A_213 = arith.constant 0 : i32
        %eq3A_214 = vector.broadcast %eq3A_213 : i32 to vector<16xi32>
        %eq3A_215 = arith.cmpi eq, %get3A_208, %eq3A_214 : vector<16xi32>
        %jit3A_216 = arith.constant 1073741824 : i32
        %broadcast_in_dim3A_217 = vector.broadcast %jit3A_216 : i32 to vector<16xi32>
        %select_n3A_218 = arith.select %eq3A_215, %add3A_212, %broadcast_in_dim3A_217 : vector<16xi1>, vector<16xi32>
        %min3A_219 = arith.minsi %min3A_201, %select_n3A_218 : vector<16xi32>
        %scan3A_220 = arith.constant 2 : i32
        %scan3A_221 = arith.addi %scan3A_187, %scan3A_220 : i32
        %mul3A_222 = arith.constant 16 : i32
        %mul3A_223 = arith.muli %scan3A_221, %mul3A_222 : i32
        %get3A_224 = arith.index_cast %mul3A_223 : i32 to index
        %get3A_225 = tpu.vector_load %arg5[%get3A_224] {strides = array<i32>} : memref<4096xi32, #tpu.memory_space<vmem>>, vector<16xi32>,
        %get3A_226 = vector.shape_cast %get3A_225 : vector<16xi32> to vector<16xi32>
        %mul3A_227 = arith.constant 16 : i32
        %mul3A_228 = arith.muli %scan3A_221, %mul3A_227 : i32
        %add3A_229 = vector.broadcast %mul3A_228 : i32 to vector<16xi32>
        %add3A_230 = arith.addi %iota3A, %add3A_229 : vector<16xi32>
        %eq3A_231 = arith.constant 0 : i32
        %eq3A_232 = vector.broadcast %eq3A_231 : i32 to vector<16xi32>
        %eq3A_233 = arith.cmpi eq, %get3A_226, %eq3A_232 : vector<16xi32>
        %jit3A_234 = arith.constant 1073741824 : i32
        %broadcast_in_dim3A_235 = vector.broadcast %jit3A_234 : i32 to vector<16xi32>
        %select_n3A_236 = arith.select %eq3A_233, %add3A_230, %broadcast_in_dim3A_235 : vector<16xi1>, vector<16xi32>
        %min3A_237 = arith.minsi %min3A_219, %select_n3A_236 : vector<16xi32>
        %scan3A_238 = arith.constant 3 : i32
        %scan3A_239 = arith.addi %scan3A_187, %scan3A_238 : i32
        %mul3A_240 = arith.constant 16 : i32
        %mul3A_241 = arith.muli %scan3A_239, %mul3A_240 : i32
        %get3A_242 = arith.index_cast %mul3A_241 : i32 to index
        %get3A_243 = tpu.vector_load %arg5[%get3A_242] {strides = array<i32>} : memref<4096xi32, #tpu.memory_space<vmem>>, vector<16xi32>,
        %get3A_244 = vector.shape_cast %get3A_243 : vector<16xi32> to vector<16xi32>
        %mul3A_245 = arith.constant 16 : i32
        %mul3A_246 = arith.muli %scan3A_239, %mul3A_245 : i32
        %add3A_247 = vector.broadcast %mul3A_246 : i32 to vector<16xi32>
        %add3A_248 = arith.addi %iota3A, %add3A_247 : vector<16xi32>
        %eq3A_249 = arith.constant 0 : i32
        %eq3A_250 = vector.broadcast %eq3A_249 : i32 to vector<16xi32>
        %eq3A_251 = arith.cmpi eq, %get3A_244, %eq3A_250 : vector<16xi32>
        %jit3A_252 = arith.constant 1073741824 : i32
        %broadcast_in_dim3A_253 = vector.broadcast %jit3A_252 : i32 to vector<16xi32>
        %select_n3A_254 = arith.select %eq3A_251, %add3A_248, %broadcast_in_dim3A_253 : vector<16xi1>, vector<16xi32>
        %min3A_255 = arith.minsi %min3A_237, %select_n3A_254 : vector<16xi32>
        %scan3A_256 = arith.constant 4 : i32
        %scan3A_257 = arith.addi %scan3A_187, %scan3A_256 : i32
        %mul3A_258 = arith.constant 16 : i32
        %mul3A_259 = arith.muli %scan3A_257, %mul3A_258 : i32
        %get3A_260 = arith.index_cast %mul3A_259 : i32 to index
        %get3A_261 = tpu.vector_load %arg5[%get3A_260] {strides = array<i32>} : memref<4096xi32, #tpu.memory_space<vmem>>, vector<16xi32>,
        %get3A_262 = vector.shape_cast %get3A_261 : vector<16xi32> to vector<16xi32>
        %mul3A_263 = arith.constant 16 : i32
        %mul3A_264 = arith.muli %scan3A_257, %mul3A_263 : i32
        %add3A_265 = vector.broadcast %mul3A_264 : i32 to vector<16xi32>
        %add3A_266 = arith.addi %iota3A, %add3A_265 : vector<16xi32>
        %eq3A_267 = arith.constant 0 : i32
        %eq3A_268 = vector.broadcast %eq3A_267 : i32 to vector<16xi32>
        %eq3A_269 = arith.cmpi eq, %get3A_262, %eq3A_268 : vector<16xi32>
        %jit3A_270 = arith.constant 1073741824 : i32
        %broadcast_in_dim3A_271 = vector.broadcast %jit3A_270 : i32 to vector<16xi32>
        %select_n3A_272 = arith.select %eq3A_269, %add3A_266, %broadcast_in_dim3A_271 : vector<16xi1>, vector<16xi32>
        %min3A_273 = arith.minsi %min3A_255, %select_n3A_272 : vector<16xi32>
        %scan3A_274 = arith.constant 5 : i32
        %scan3A_275 = arith.addi %scan3A_187, %scan3A_274 : i32
        %mul3A_276 = arith.constant 16 : i32
        %mul3A_277 = arith.muli %scan3A_275, %mul3A_276 : i32
        %get3A_278 = arith.index_cast %mul3A_277 : i32 to index
        %get3A_279 = tpu.vector_load %arg5[%get3A_278] {strides = array<i32>} : memref<4096xi32, #tpu.memory_space<vmem>>, vector<16xi32>,
        %get3A_280 = vector.shape_cast %get3A_279 : vector<16xi32> to vector<16xi32>
        %mul3A_281 = arith.constant 16 : i32
        %mul3A_282 = arith.muli %scan3A_275, %mul3A_281 : i32
        %add3A_283 = vector.broadcast %mul3A_282 : i32 to vector<16xi32>
        %add3A_284 = arith.addi %iota3A, %add3A_283 : vector<16xi32>
        %eq3A_285 = arith.constant 0 : i32
        %eq3A_286 = vector.broadcast %eq3A_285 : i32 to vector<16xi32>
        %eq3A_287 = arith.cmpi eq, %get3A_280, %eq3A_286 : vector<16xi32>
        %jit3A_288 = arith.constant 1073741824 : i32
        %broadcast_in_dim3A_289 = vector.broadcast %jit3A_288 : i32 to vector<16xi32>
        %select_n3A_290 = arith.select %eq3A_287, %add3A_284, %broadcast_in_dim3A_289 : vector<16xi1>, vector<16xi32>
        %min3A_291 = arith.minsi %min3A_273, %select_n3A_290 : vector<16xi32>
        %scan3A_292 = arith.constant 6 : i32
        %scan3A_293 = arith.addi %scan3A_187, %scan3A_292 : i32
        %mul3A_294 = arith.constant 16 : i32
        %mul3A_295 = arith.muli %scan3A_293, %mul3A_294 : i32
        %get3A_296 = arith.index_cast %mul3A_295 : i32 to index
        %get3A_297 = tpu.vector_load %arg5[%get3A_296] {strides = array<i32>} : memref<4096xi32, #tpu.memory_space<vmem>>, vector<16xi32>,
        %get3A_298 = vector.shape_cast %get3A_297 : vector<16xi32> to vector<16xi32>
        %mul3A_299 = arith.constant 16 : i32
        %mul3A_300 = arith.muli %scan3A_293, %mul3A_299 : i32
        %add3A_301 = vector.broadcast %mul3A_300 : i32 to vector<16xi32>
        %add3A_302 = arith.addi %iota3A, %add3A_301 : vector<16xi32>
        %eq3A_303 = arith.constant 0 : i32
        %eq3A_304 = vector.broadcast %eq3A_303 : i32 to vector<16xi32>
        %eq3A_305 = arith.cmpi eq, %get3A_298, %eq3A_304 : vector<16xi32>
        %jit3A_306 = arith.constant 1073741824 : i32
        %broadcast_in_dim3A_307 = vector.broadcast %jit3A_306 : i32 to vector<16xi32>
        %select_n3A_308 = arith.select %eq3A_305, %add3A_302, %broadcast_in_dim3A_307 : vector<16xi1>, vector<16xi32>
        %min3A_309 = arith.minsi %min3A_291, %select_n3A_308 : vector<16xi32>
        %scan3A_310 = arith.constant 7 : i32
        %scan3A_311 = arith.addi %scan3A_187, %scan3A_310 : i32
        %mul3A_312 = arith.constant 16 : i32
        %mul3A_313 = arith.muli %scan3A_311, %mul3A_312 : i32
        %get3A_314 = arith.index_cast %mul3A_313 : i32 to index
        %get3A_315 = tpu.vector_load %arg5[%get3A_314] {strides = array<i32>} : memref<4096xi32, #tpu.memory_space<vmem>>, vector<16xi32>,
        %get3A_316 = vector.shape_cast %get3A_315 : vector<16xi32> to vector<16xi32>
        %mul3A_317 = arith.constant 16 : i32
        %mul3A_318 = arith.muli %scan3A_311, %mul3A_317 : i32
        %add3A_319 = vector.broadcast %mul3A_318 : i32 to vector<16xi32>
        %add3A_320 = arith.addi %iota3A, %add3A_319 : vector<16xi32>
        %eq3A_321 = arith.constant 0 : i32
        %eq3A_322 = vector.broadcast %eq3A_321 : i32 to vector<16xi32>
        %eq3A_323 = arith.cmpi eq, %get3A_316, %eq3A_322 : vector<16xi32>
        %jit3A_324 = arith.constant 1073741824 : i32
        %broadcast_in_dim3A_325 = vector.broadcast %jit3A_324 : i32 to vector<16xi32>
        %select_n3A_326 = arith.select %eq3A_323, %add3A_320, %broadcast_in_dim3A_325 : vector<16xi1>, vector<16xi32>
        %min3A_327 = arith.minsi %min3A_309, %select_n3A_326 : vector<16xi32>
        scf.yield %min3A_327 : vector<16xi32>
      }
      %scan3A_35 = arith.constant 128 : i32
      %dma_wait3A_36 = arith.constant 2048 : i32
      %dma_wait3A_37 = tpu.memref_slice %arg5[%dma_wait3A_36] : memref<4096xi32, #tpu.memory_space<vmem>> -> memref<2048xi32, #tpu.memory_space<vmem>>
      %dma_wait3A_38 = arith.constant 2048 : i32
      %dma_wait3A_39 = tpu.memref_slice %arg3[%arg1, %dma_wait3A_38] : memref<4x4096xi32, #tpu.memory_space<hbm>> -> memref<1x2048xi32, #tpu.memory_space<hbm>>
      %dma_wait3A_40 = tpu.memref_squeeze %dma_wait3A_39 : memref<1x2048xi32, #tpu.memory_space<hbm>> -> memref<2048xi32, #tpu.memory_space<hbm>>
      %dma_wait3A_41 = arith.constant 2048 : i32
      %dma_wait3A_42 = tpu.memref_slice %arg5[%dma_wait3A_41] : memref<4096xi32, #tpu.memory_space<vmem>> -> memref<2048xi32, #tpu.memory_space<vmem>>
      %dma_wait3A_43 = arith.constant 2048 : i32
      %dma_wait3A_44 = tpu.memref_slice %arg3[%arg1, %dma_wait3A_43] : memref<4x4096xi32, #tpu.memory_space<hbm>> -> memref<1x2048xi32, #tpu.memory_space<hbm>>
      %dma_wait3A_45 = tpu.memref_squeeze %dma_wait3A_44 : memref<1x2048xi32, #tpu.memory_space<hbm>> -> memref<2048xi32, #tpu.memory_space<hbm>>
      tpu.wait_dma2 semaphore(%arg9 : memref<!tpu.dma_semaphore, #tpu.memory_space<semaphore_mem>>) src(%dma_wait3A_45 : memref<2048xi32, #tpu.memory_space<hbm>>) dst(%dma_wait3A_42 : memref<2048xi32, #tpu.memory_space<vmem>>)
      %scan3A_46 = arith.constant 128 : i32
      %scan3A_47 = arith.constant 128 : i32
      %scan3A_48 = arith.addi %scan3A_46, %scan3A_47 : i32
      %scan3A_49 = arith.constant 8 : i32
      %scan3A_50 = scf.for %scan3A_187 = %scan3A_46 to %scan3A_48 step %scan3A_49 iter_args(%scan3A_188 = %scan3A_34) -> (vector<16xi32>)  : i32 {
        %mul3A = arith.constant 16 : i32
        %mul3A_189 = arith.muli %scan3A_187, %mul3A : i32
        %get3A = arith.index_cast %mul3A_189 : i32 to index
        %get3A_190 = tpu.vector_load %arg5[%get3A] {strides = array<i32>} : memref<4096xi32, #tpu.memory_space<vmem>>, vector<16xi32>,
        %get3A_191 = vector.shape_cast %get3A_190 : vector<16xi32> to vector<16xi32>
        %mul3A_192 = arith.constant 16 : i32
        %mul3A_193 = arith.muli %scan3A_187, %mul3A_192 : i32
        %add3A = vector.broadcast %mul3A_193 : i32 to vector<16xi32>
        %add3A_194 = arith.addi %iota3A, %add3A : vector<16xi32>
        %eq3A_195 = arith.constant 0 : i32
        %eq3A_196 = vector.broadcast %eq3A_195 : i32 to vector<16xi32>
        %eq3A_197 = arith.cmpi eq, %get3A_191, %eq3A_196 : vector<16xi32>
        %jit3A_198 = arith.constant 1073741824 : i32
        %broadcast_in_dim3A_199 = vector.broadcast %jit3A_198 : i32 to vector<16xi32>
        %select_n3A_200 = arith.select %eq3A_197, %add3A_194, %broadcast_in_dim3A_199 : vector<16xi1>, vector<16xi32>
        %min3A_201 = arith.minsi %scan3A_188, %select_n3A_200 : vector<16xi32>
        %scan3A_202 = arith.constant 1 : i32
        %scan3A_203 = arith.addi %scan3A_187, %scan3A_202 : i32
        %mul3A_204 = arith.constant 16 : i32
        %mul3A_205 = arith.muli %scan3A_203, %mul3A_204 : i32
        %get3A_206 = arith.index_cast %mul3A_205 : i32 to index
        %get3A_207 = tpu.vector_load %arg5[%get3A_206] {strides = array<i32>} : memref<4096xi32, #tpu.memory_space<vmem>>, vector<16xi32>,
        %get3A_208 = vector.shape_cast %get3A_207 : vector<16xi32> to vector<16xi32>
        %mul3A_209 = arith.constant 16 : i32
        %mul3A_210 = arith.muli %scan3A_203, %mul3A_209 : i32
        %add3A_211 = vector.broadcast %mul3A_210 : i32 to vector<16xi32>
        %add3A_212 = arith.addi %iota3A, %add3A_211 : vector<16xi32>
        %eq3A_213 = arith.constant 0 : i32
        %eq3A_214 = vector.broadcast %eq3A_213 : i32 to vector<16xi32>
        %eq3A_215 = arith.cmpi eq, %get3A_208, %eq3A_214 : vector<16xi32>
        %jit3A_216 = arith.constant 1073741824 : i32
        %broadcast_in_dim3A_217 = vector.broadcast %jit3A_216 : i32 to vector<16xi32>
        %select_n3A_218 = arith.select %eq3A_215, %add3A_212, %broadcast_in_dim3A_217 : vector<16xi1>, vector<16xi32>
        %min3A_219 = arith.minsi %min3A_201, %select_n3A_218 : vector<16xi32>
        %scan3A_220 = arith.constant 2 : i32
        %scan3A_221 = arith.addi %scan3A_187, %scan3A_220 : i32
        %mul3A_222 = arith.constant 16 : i32
        %mul3A_223 = arith.muli %scan3A_221, %mul3A_222 : i32
        %get3A_224 = arith.index_cast %mul3A_223 : i32 to index
        %get3A_225 = tpu.vector_load %arg5[%get3A_224] {strides = array<i32>} : memref<4096xi32, #tpu.memory_space<vmem>>, vector<16xi32>,
        %get3A_226 = vector.shape_cast %get3A_225 : vector<16xi32> to vector<16xi32>
        %mul3A_227 = arith.constant 16 : i32
        %mul3A_228 = arith.muli %scan3A_221, %mul3A_227 : i32
        %add3A_229 = vector.broadcast %mul3A_228 : i32 to vector<16xi32>
        %add3A_230 = arith.addi %iota3A, %add3A_229 : vector<16xi32>
        %eq3A_231 = arith.constant 0 : i32
        %eq3A_232 = vector.broadcast %eq3A_231 : i32 to vector<16xi32>
        %eq3A_233 = arith.cmpi eq, %get3A_226, %eq3A_232 : vector<16xi32>
        %jit3A_234 = arith.constant 1073741824 : i32
        %broadcast_in_dim3A_235 = vector.broadcast %jit3A_234 : i32 to vector<16xi32>
        %select_n3A_236 = arith.select %eq3A_233, %add3A_230, %broadcast_in_dim3A_235 : vector<16xi1>, vector<16xi32>
        %min3A_237 = arith.minsi %min3A_219, %select_n3A_236 : vector<16xi32>
        %scan3A_238 = arith.constant 3 : i32
        %scan3A_239 = arith.addi %scan3A_187, %scan3A_238 : i32
        %mul3A_240 = arith.constant 16 : i32
        %mul3A_241 = arith.muli %scan3A_239, %mul3A_240 : i32
        %get3A_242 = arith.index_cast %mul3A_241 : i32 to index
        %get3A_243 = tpu.vector_load %arg5[%get3A_242] {strides = array<i32>} : memref<4096xi32, #tpu.memory_space<vmem>>, vector<16xi32>,
        %get3A_244 = vector.shape_cast %get3A_243 : vector<16xi32> to vector<16xi32>
        %mul3A_245 = arith.constant 16 : i32
        %mul3A_246 = arith.muli %scan3A_239, %mul3A_245 : i32
        %add3A_247 = vector.broadcast %mul3A_246 : i32 to vector<16xi32>
        %add3A_248 = arith.addi %iota3A, %add3A_247 : vector<16xi32>
        %eq3A_249 = arith.constant 0 : i32
        %eq3A_250 = vector.broadcast %eq3A_249 : i32 to vector<16xi32>
        %eq3A_251 = arith.cmpi eq, %get3A_244, %eq3A_250 : vector<16xi32>
        %jit3A_252 = arith.constant 1073741824 : i32
        %broadcast_in_dim3A_253 = vector.broadcast %jit3A_252 : i32 to vector<16xi32>
        %select_n3A_254 = arith.select %eq3A_251, %add3A_248, %broadcast_in_dim3A_253 : vector<16xi1>, vector<16xi32>
        %min3A_255 = arith.minsi %min3A_237, %select_n3A_254 : vector<16xi32>
        %scan3A_256 = arith.constant 4 : i32
        %scan3A_257 = arith.addi %scan3A_187, %scan3A_256 : i32
        %mul3A_258 = arith.constant 16 : i32
        %mul3A_259 = arith.muli %scan3A_257, %mul3A_258 : i32
        %get3A_260 = arith.index_cast %mul3A_259 : i32 to index
        %get3A_261 = tpu.vector_load %arg5[%get3A_260] {strides = array<i32>} : memref<4096xi32, #tpu.memory_space<vmem>>, vector<16xi32>,
        %get3A_262 = vector.shape_cast %get3A_261 : vector<16xi32> to vector<16xi32>
        %mul3A_263 = arith.constant 16 : i32
        %mul3A_264 = arith.muli %scan3A_257, %mul3A_263 : i32
        %add3A_265 = vector.broadcast %mul3A_264 : i32 to vector<16xi32>
        %add3A_266 = arith.addi %iota3A, %add3A_265 : vector<16xi32>
        %eq3A_267 = arith.constant 0 : i32
        %eq3A_268 = vector.broadcast %eq3A_267 : i32 to vector<16xi32>
        %eq3A_269 = arith.cmpi eq, %get3A_262, %eq3A_268 : vector<16xi32>
        %jit3A_270 = arith.constant 1073741824 : i32
        %broadcast_in_dim3A_271 = vector.broadcast %jit3A_270 : i32 to vector<16xi32>
        %select_n3A_272 = arith.select %eq3A_269, %add3A_266, %broadcast_in_dim3A_271 : vector<16xi1>, vector<16xi32>
        %min3A_273 = arith.minsi %min3A_255, %select_n3A_272 : vector<16xi32>
        %scan3A_274 = arith.constant 5 : i32
        %scan3A_275 = arith.addi %scan3A_187, %scan3A_274 : i32
        %mul3A_276 = arith.constant 16 : i32
        %mul3A_277 = arith.muli %scan3A_275, %mul3A_276 : i32
        %get3A_278 = arith.index_cast %mul3A_277 : i32 to index
        %get3A_279 = tpu.vector_load %arg5[%get3A_278] {strides = array<i32>} : memref<4096xi32, #tpu.memory_space<vmem>>, vector<16xi32>,
        %get3A_280 = vector.shape_cast %get3A_279 : vector<16xi32> to vector<16xi32>
        %mul3A_281 = arith.constant 16 : i32
        %mul3A_282 = arith.muli %scan3A_275, %mul3A_281 : i32
        %add3A_283 = vector.broadcast %mul3A_282 : i32 to vector<16xi32>
        %add3A_284 = arith.addi %iota3A, %add3A_283 : vector<16xi32>
        %eq3A_285 = arith.constant 0 : i32
        %eq3A_286 = vector.broadcast %eq3A_285 : i32 to vector<16xi32>
        %eq3A_287 = arith.cmpi eq, %get3A_280, %eq3A_286 : vector<16xi32>
        %jit3A_288 = arith.constant 1073741824 : i32
        %broadcast_in_dim3A_289 = vector.broadcast %jit3A_288 : i32 to vector<16xi32>
        %select_n3A_290 = arith.select %eq3A_287, %add3A_284, %broadcast_in_dim3A_289 : vector<16xi1>, vector<16xi32>
        %min3A_291 = arith.minsi %min3A_273, %select_n3A_290 : vector<16xi32>
        %scan3A_292 = arith.constant 6 : i32
        %scan3A_293 = arith.addi %scan3A_187, %scan3A_292 : i32
        %mul3A_294 = arith.constant 16 : i32
        %mul3A_295 = arith.muli %scan3A_293, %mul3A_294 : i32
        %get3A_296 = arith.index_cast %mul3A_295 : i32 to index
        %get3A_297 = tpu.vector_load %arg5[%get3A_296] {strides = array<i32>} : memref<4096xi32, #tpu.memory_space<vmem>>, vector<16xi32>,
        %get3A_298 = vector.shape_cast %get3A_297 : vector<16xi32> to vector<16xi32>
        %mul3A_299 = arith.constant 16 : i32
        %mul3A_300 = arith.muli %scan3A_293, %mul3A_299 : i32
        %add3A_301 = vector.broadcast %mul3A_300 : i32 to vector<16xi32>
        %add3A_302 = arith.addi %iota3A, %add3A_301 : vector<16xi32>
        %eq3A_303 = arith.constant 0 : i32
        %eq3A_304 = vector.broadcast %eq3A_303 : i32 to vector<16xi32>
        %eq3A_305 = arith.cmpi eq, %get3A_298, %eq3A_304 : vector<16xi32>
        %jit3A_306 = arith.constant 1073741824 : i32
        %broadcast_in_dim3A_307 = vector.broadcast %jit3A_306 : i32 to vector<16xi32>
        %select_n3A_308 = arith.select %eq3A_305, %add3A_302, %broadcast_in_dim3A_307 : vector<16xi1>, vector<16xi32>
        %min3A_309 = arith.minsi %min3A_291, %select_n3A_308 : vector<16xi32>
        %scan3A_310 = arith.constant 7 : i32
        %scan3A_311 = arith.addi %scan3A_187, %scan3A_310 : i32
        %mul3A_312 = arith.constant 16 : i32
        %mul3A_313 = arith.muli %scan3A_311, %mul3A_312 : i32
        %get3A_314 = arith.index_cast %mul3A_313 : i32 to index
        %get3A_315 = tpu.vector_load %arg5[%get3A_314] {strides = array<i32>} : memref<4096xi32, #tpu.memory_space<vmem>>, vector<16xi32>,
        %get3A_316 = vector.shape_cast %get3A_315 : vector<16xi32> to vector<16xi32>
        %mul3A_317 = arith.constant 16 : i32
        %mul3A_318 = arith.muli %scan3A_311, %mul3A_317 : i32
        %add3A_319 = vector.broadcast %mul3A_318 : i32 to vector<16xi32>
        %add3A_320 = arith.addi %iota3A, %add3A_319 : vector<16xi32>
        %eq3A_321 = arith.constant 0 : i32
        %eq3A_322 = vector.broadcast %eq3A_321 : i32 to vector<16xi32>
        %eq3A_323 = arith.cmpi eq, %get3A_316, %eq3A_322 : vector<16xi32>
        %jit3A_324 = arith.constant 1073741824 : i32
        %broadcast_in_dim3A_325 = vector.broadcast %jit3A_324 : i32 to vector<16xi32>
        %select_n3A_326 = arith.select %eq3A_323, %add3A_320, %broadcast_in_dim3A_325 : vector<16xi1>, vector<16xi32>
        %min3A_327 = arith.minsi %min3A_309, %select_n3A_326 : vector<16xi32>
        scf.yield %min3A_327 : vector<16xi32>
      }
      %scan3A_51 = arith.constant 128 : i32
      %xor3A = arith.constant 8 : i32
      %xor3A_52 = vector.broadcast %xor3A : i32 to vector<16xi32>
      %xor3A_53 = arith.xori %iota3A, %xor3A_52 : vector<16xi32>
      %broadcast_in_dim3A_54 = vector.shape_cast %xor3A_53 : vector<16xi32> to vector<16x1xi32>
      %gather3A = vector.shape_cast %broadcast_in_dim3A_54 : vector<16x1xi32> to vector<16xi32>
      %gather3A_55 = tpu.dynamic_gather %scan3A_50[%gather3A] in [0] : vector<16xi32>, vector<16xi32> -> vector<16xi32>
      %min3A = arith.minsi %scan3A_50, %gather3A_55 : vector<16xi32>
      %xor3A_56 = arith.constant 4 : i32
      %xor3A_57 = vector.broadcast %xor3A_56 : i32 to vector<16xi32>
      %xor3A_58 = arith.xori %iota3A, %xor3A_57 : vector<16xi32>
      %broadcast_in_dim3A_59 = vector.shape_cast %xor3A_58 : vector<16xi32> to vector<16x1xi32>
      %gather3A_60 = vector.shape_cast %broadcast_in_dim3A_59 : vector<16x1xi32> to vector<16xi32>
      %gather3A_61 = tpu.dynamic_gather %min3A[%gather3A_60] in [0] : vector<16xi32>, vector<16xi32> -> vector<16xi32>
      %min3A_62 = arith.minsi %min3A, %gather3A_61 : vector<16xi32>
      %xor3A_63 = arith.constant 2 : i32
      %xor3A_64 = vector.broadcast %xor3A_63 : i32 to vector<16xi32>
      %xor3A_65 = arith.xori %iota3A, %xor3A_64 : vector<16xi32>
      %broadcast_in_dim3A_66 = vector.shape_cast %xor3A_65 : vector<16xi32> to vector<16x1xi32>
      %gather3A_67 = vector.shape_cast %broadcast_in_dim3A_66 : vector<16x1xi32> to vector<16xi32>
      %gather3A_68 = tpu.dynamic_gather %min3A_62[%gather3A_67] in [0] : vector<16xi32>, vector<16xi32> -> vector<16xi32>
      %min3A_69 = arith.minsi %min3A_62, %gather3A_68 : vector<16xi32>
      %xor3A_70 = arith.constant 1 : i32
      %xor3A_71 = vector.broadcast %xor3A_70 : i32 to vector<16xi32>
      %xor3A_72 = arith.xori %iota3A, %xor3A_71 : vector<16xi32>
      %broadcast_in_dim3A_73 = vector.shape_cast %xor3A_72 : vector<16xi32> to vector<16x1xi32>
      %gather3A_74 = vector.shape_cast %broadcast_in_dim3A_73 : vector<16x1xi32> to vector<16xi32>
      %gather3A_75 = tpu.dynamic_gather %min3A_69[%gather3A_74] in [0] : vector<16xi32>, vector<16xi32> -> vector<16xi32>
      %min3A_76 = arith.minsi %min3A_69, %gather3A_75 : vector<16xi32>
      %eq3A = arith.constant 0 : i32
      %eq3A_77 = vector.broadcast %eq3A : i32 to vector<16xi32>
      %eq3A_78 = arith.cmpi eq, %min3A_76, %eq3A_77 : vector<16xi32>
      %ge3A = arith.constant 4096 : i32
      %ge3A_79 = vector.broadcast %ge3A : i32 to vector<16xi32>
      %ge3A_80 = arith.cmpi sge, %min3A_76, %ge3A_79 : vector<16xi32>
      %or3A = arith.ori %eq3A_78, %ge3A_80 : vector<16xi1>
      %sub3A = arith.constant 1 : i32
      %sub3A_81 = vector.broadcast %sub3A : i32 to vector<16xi32>
      %sub3A_82 = arith.subi %min3A_76, %sub3A_81 : vector<16xi32>
      %jit3A = arith.constant 4095 : i32
      %broadcast_in_dim3A_83 = vector.broadcast %jit3A : i32 to vector<16xi32>
      %select_n3A = arith.select %or3A, %broadcast_in_dim3A_83, %sub3A_82 : vector<16xi1>, vector<16xi32>
      %swap3A = arith.constant 0 : index
      %swap3A_84 = tpu.vector_load %arg6[%swap3A] {strides = array<i32>} : memref<16xi32, #tpu.memory_space<vmem>>, vector<16xi32>,
      %swap3A_85 = vector.shape_cast %swap3A_84 : vector<16xi32> to vector<16xi32>
      %swap3A_86 = vector.shape_cast %select_n3A : vector<16xi32> to vector<16xi32>
      tpu.vector_store %arg6[%swap3A], %swap3A_86 {strides = array<i32>} : memref<16xi32, #tpu.memory_space<vmem>>, vector<16xi32>,
      %dma_start3A_87 = arith.constant 0 : i32
      %dma_start3A_88 = arith.constant 0 : i32
      %dma_start3A_89 = tpu.memref_slice %arg7[%dma_start3A_87, %dma_start3A_88] : memref<1x4096xf32, #tpu.memory_space<vmem>> -> memref<1x2048xf32, #tpu.memory_space<vmem>>
      %dma_start3A_90 = arith.constant 0 : i32
      %dma_start3A_91 = tpu.memref_slice %arg6[%dma_start3A_90] : memref<16xi32, #tpu.memory_space<vmem>> -> memref<1xi32, #tpu.memory_space<vmem>>
      %dma_start3A_92 = arith.constant 0 : i32
      %dma_start3A_93 = arith.constant 0 : i32
      %dma_start3A_94 = tpu.memref_slice %arg2[%arg1, %dma_start3A_92, %dma_start3A_93] : memref<4x4096x4096xf32, #tpu.memory_space<hbm>> -> memref<1x4096x2048xf32, #tpu.memory_space<hbm>>
      %dma_start3A_95 = tpu.memref_squeeze %dma_start3A_94 : memref<1x4096x2048xf32, #tpu.memory_space<hbm>> -> memref<4096x2048xf32, #tpu.memory_space<hbm>>
      %dma_start3A_96 = arith.constant 0 : i32
      %dma_start3A_97 = arith.constant 0 : i32
      %dma_start3A_98 = tpu.memref_slice %dma_start3A_95[%dma_start3A_96, %dma_start3A_97] : memref<4096x2048xf32, #tpu.memory_space<hbm>> -> memref<4096x2048xf32, #tpu.memory_space<hbm>>
      tpu.enqueue_indirect_dma source(%dma_start3A_98 : memref<4096x2048xf32, #tpu.memory_space<hbm>>) target(%dma_start3A_89 : memref<1x2048xf32, #tpu.memory_space<vmem>>) offsets(%dma_start3A_91 : memref<1xi32, #tpu.memory_space<vmem>>) semaphore(%arg8 : memref<!tpu.dma_semaphore, #tpu.memory_space<semaphore_mem>>)
      %dma_start3A_99 = arith.constant 0 : i32
      %dma_start3A_100 = arith.constant 2048 : i32
      %dma_start3A_101 = tpu.memref_slice %arg7[%dma_start3A_99, %dma_start3A_100] : memref<1x4096xf32, #tpu.memory_space<vmem>> -> memref<1x2048xf32, #tpu.memory_space<vmem>>
      %dma_start3A_102 = arith.constant 0 : i32
      %dma_start3A_103 = tpu.memref_slice %arg6[%dma_start3A_102] : memref<16xi32, #tpu.memory_space<vmem>> -> memref<1xi32, #tpu.memory_space<vmem>>
      %dma_start3A_104 = arith.constant 0 : i32
      %dma_start3A_105 = arith.constant 2048 : i32
      %dma_start3A_106 = tpu.memref_slice %arg2[%arg1, %dma_start3A_104, %dma_start3A_105] : memref<4x4096x4096xf32, #tpu.memory_space<hbm>> -> memref<1x4096x2048xf32, #tpu.memory_space<hbm>>
      %dma_start3A_107 = tpu.memref_squeeze %dma_start3A_106 : memref<1x4096x2048xf32, #tpu.memory_space<hbm>> -> memref<4096x2048xf32, #tpu.memory_space<hbm>>
      %dma_start3A_108 = arith.constant 0 : i32
      %dma_start3A_109 = arith.constant 0 : i32
      %dma_start3A_110 = tpu.memref_slice %dma_start3A_107[%dma_start3A_108, %dma_start3A_109] : memref<4096x2048xf32, #tpu.memory_space<hbm>> -> memref<4096x2048xf32, #tpu.memory_space<hbm>>
      tpu.enqueue_indirect_dma source(%dma_start3A_110 : memref<4096x2048xf32, #tpu.memory_space<hbm>>) target(%dma_start3A_101 : memref<1x2048xf32, #tpu.memory_space<vmem>>) offsets(%dma_start3A_103 : memref<1xi32, #tpu.memory_space<vmem>>) semaphore(%arg9 : memref<!tpu.dma_semaphore, #tpu.memory_space<semaphore_mem>>)
      %dma_wait3A_111 = arith.constant 0 : i32
      %dma_wait3A_112 = arith.constant 0 : i32
      %dma_wait3A_113 = tpu.memref_slice %arg7[%dma_wait3A_111, %dma_wait3A_112] : memref<1x4096xf32, #tpu.memory_space<vmem>> -> memref<1x2048xf32, #tpu.memory_space<vmem>>
      %dma_wait3A_114 = arith.constant 0 : i32
      %dma_wait3A_115 = tpu.memref_slice %arg6[%dma_wait3A_114] : memref<16xi32, #tpu.memory_space<vmem>> -> memref<1xi32, #tpu.memory_space<vmem>>
      %dma_wait3A_116 = arith.constant 0 : i32
      %dma_wait3A_117 = arith.constant 0 : i32
      %dma_wait3A_118 = tpu.memref_slice %arg2[%arg1, %dma_wait3A_116, %dma_wait3A_117] : memref<4x4096x4096xf32, #tpu.memory_space<hbm>> -> memref<1x4096x2048xf32, #tpu.memory_space<hbm>>
      %dma_wait3A_119 = tpu.memref_squeeze %dma_wait3A_118 : memref<1x4096x2048xf32, #tpu.memory_space<hbm>> -> memref<4096x2048xf32, #tpu.memory_space<hbm>>
      %dma_wait3A_120 = arith.constant 0 : i32
      %dma_wait3A_121 = arith.constant 0 : i32
      %dma_wait3A_122 = tpu.memref_slice %dma_wait3A_119[%dma_wait3A_120, %dma_wait3A_121] : memref<4096x2048xf32, #tpu.memory_space<hbm>> -> memref<4096x2048xf32, #tpu.memory_space<hbm>>
      tpu.wait_indirect_dma semaphore(%arg8 : memref<!tpu.dma_semaphore, #tpu.memory_space<semaphore_mem>>) src(%dma_wait3A_122 : memref<4096x2048xf32, #tpu.memory_space<hbm>>) dst(%dma_wait3A_113 : memref<1x2048xf32, #tpu.memory_space<vmem>>)
      %dma_start3A_123 = arith.constant 0 : i32
      %dma_start3A_124 = arith.constant 0 : i32
      %dma_start3A_125 = tpu.memref_slice %arg7[%dma_start3A_123, %dma_start3A_124] : memref<1x4096xf32, #tpu.memory_space<vmem>> -> memref<1x2048xf32, #tpu.memory_space<vmem>>
      %dma_start3A_126 = tpu.memref_squeeze %dma_start3A_125 : memref<1x2048xf32, #tpu.memory_space<vmem>> -> memref<2048xf32, #tpu.memory_space<vmem>>
      %dma_start3A_127 = arith.constant 0 : i32
      %dma_start3A_128 = tpu.memref_slice %arg4[%arg1, %dma_start3A_127] : memref<4x4096xf32, #tpu.memory_space<hbm>> -> memref<1x2048xf32, #tpu.memory_space<hbm>>
      %dma_start3A_129 = tpu.memref_squeeze %dma_start3A_128 : memref<1x2048xf32, #tpu.memory_space<hbm>> -> memref<2048xf32, #tpu.memory_space<hbm>>
      %dma_start3A_130 = arith.constant 0 : i32
      %dma_start3A_131 = tpu.memref_slice %arg4[%arg1, %dma_start3A_130] : memref<4x4096xf32, #tpu.memory_space<hbm>> -> memref<1x2048xf32, #tpu.memory_space<hbm>>
      %dma_start3A_132 = tpu.memref_squeeze %dma_start3A_131 : memref<1x2048xf32, #tpu.memory_space<hbm>> -> memref<2048xf32, #tpu.memory_space<hbm>>
      %dma_start3A_133 = arith.constant 0 : i32
      %dma_start3A_134 = tpu.memref_slice %arg7[%dma_start3A_123, %dma_start3A_133] : memref<1x4096xf32, #tpu.memory_space<vmem>> -> memref<1x2048xf32, #tpu.memory_space<vmem>>
      %dma_start3A_135 = tpu.memref_squeeze %dma_start3A_134 : memref<1x2048xf32, #tpu.memory_space<vmem>> -> memref<2048xf32, #tpu.memory_space<vmem>>
      tpu.enqueue_dma source(%dma_start3A_135 : memref<2048xf32, #tpu.memory_space<vmem>>) target(%dma_start3A_132 : memref<2048xf32, #tpu.memory_space<hbm>>) target_semaphore(%arg8 : memref<!tpu.dma_semaphore, #tpu.memory_space<semaphore_mem>>)
      %dma_wait3A_136 = arith.constant 0 : i32
      %dma_wait3A_137 = arith.constant 2048 : i32
      %dma_wait3A_138 = tpu.memref_slice %arg7[%dma_wait3A_136, %dma_wait3A_137] : memref<1x4096xf32, #tpu.memory_space<vmem>> -> memref<1x2048xf32, #tpu.memory_space<vmem>>
      %dma_wait3A_139 = arith.constant 0 : i32
      %dma_wait3A_140 = tpu.memref_slice %arg6[%dma_wait3A_139] : memref<16xi32, #tpu.memory_space<vmem>> -> memref<1xi32, #tpu.memory_space<vmem>>
      %dma_wait3A_141 = arith.constant 0 : i32
      %dma_wait3A_142 = arith.constant 2048 : i32
      %dma_wait3A_143 = tpu.memref_slice %arg2[%arg1, %dma_wait3A_141, %dma_wait3A_142] : memref<4x4096x4096xf32, #tpu.memory_space<hbm>> -> memref<1x4096x2048xf32, #tpu.memory_space<hbm>>
      %dma_wait3A_144 = tpu.memref_squeeze %dma_wait3A_143 : memref<1x4096x2048xf32, #tpu.memory_space<hbm>> -> memref<4096x2048xf32, #tpu.memory_space<hbm>>
      %dma_wait3A_145 = arith.constant 0 : i32
      %dma_wait3A_146 = arith.constant 0 : i32
      %dma_wait3A_147 = tpu.memref_slice %dma_wait3A_144[%dma_wait3A_145, %dma_wait3A_146] : memref<4096x2048xf32, #tpu.memory_space<hbm>> -> memref<4096x2048xf32, #tpu.memory_space<hbm>>
      tpu.wait_indirect_dma semaphore(%arg9 : memref<!tpu.dma_semaphore, #tpu.memory_space<semaphore_mem>>) src(%dma_wait3A_147 : memref<4096x2048xf32, #tpu.memory_space<hbm>>) dst(%dma_wait3A_138 : memref<1x2048xf32, #tpu.memory_space<vmem>>)
      %dma_start3A_148 = arith.constant 0 : i32
      %dma_start3A_149 = arith.constant 2048 : i32
      %dma_start3A_150 = tpu.memref_slice %arg7[%dma_start3A_148, %dma_start3A_149] : memref<1x4096xf32, #tpu.memory_space<vmem>> -> memref<1x2048xf32, #tpu.memory_space<vmem>>
      %dma_start3A_151 = tpu.memref_squeeze %dma_start3A_150 : memref<1x2048xf32, #tpu.memory_space<vmem>> -> memref<2048xf32, #tpu.memory_space<vmem>>
      %dma_start3A_152 = arith.constant 2048 : i32
      %dma_start3A_153 = tpu.memref_slice %arg4[%arg1, %dma_start3A_152] : memref<4x4096xf32, #tpu.memory_space<hbm>> -> memref<1x2048xf32, #tpu.memory_space<hbm>>
      %dma_start3A_154 = tpu.memref_squeeze %dma_start3A_153 : memref<1x2048xf32, #tpu.memory_space<hbm>> -> memref<2048xf32, #tpu.memory_space<hbm>>
      %dma_start3A_155 = arith.constant 2048 : i32
      %dma_start3A_156 = tpu.memref_slice %arg4[%arg1, %dma_start3A_155] : memref<4x4096xf32, #tpu.memory_space<hbm>> -> memref<1x2048xf32, #tpu.memory_space<hbm>>
      %dma_start3A_157 = tpu.memref_squeeze %dma_start3A_156 : memref<1x2048xf32, #tpu.memory_space<hbm>> -> memref<2048xf32, #tpu.memory_space<hbm>>
      %dma_start3A_158 = arith.constant 2048 : i32
      %dma_start3A_159 = tpu.memref_slice %arg7[%dma_start3A_148, %dma_start3A_158] : memref<1x4096xf32, #tpu.memory_space<vmem>> -> memref<1x2048xf32, #tpu.memory_space<vmem>>
      %dma_start3A_160 = tpu.memref_squeeze %dma_start3A_159 : memref<1x2048xf32, #tpu.memory_space<vmem>> -> memref<2048xf32, #tpu.memory_space<vmem>>
      tpu.enqueue_dma source(%dma_start3A_160 : memref<2048xf32, #tpu.memory_space<vmem>>) target(%dma_start3A_157 : memref<2048xf32, #tpu.memory_space<hbm>>) target_semaphore(%arg9 : memref<!tpu.dma_semaphore, #tpu.memory_space<semaphore_mem>>)
      %dma_wait3A_161 = arith.constant 0 : i32
      %dma_wait3A_162 = arith.constant 0 : i32
      %dma_wait3A_163 = tpu.memref_slice %arg7[%dma_wait3A_161, %dma_wait3A_162] : memref<1x4096xf32, #tpu.memory_space<vmem>> -> memref<1x2048xf32, #tpu.memory_space<vmem>>
      %dma_wait3A_164 = tpu.memref_squeeze %dma_wait3A_163 : memref<1x2048xf32, #tpu.memory_space<vmem>> -> memref<2048xf32, #tpu.memory_space<vmem>>
      %dma_wait3A_165 = arith.constant 0 : i32
      %dma_wait3A_166 = tpu.memref_slice %arg4[%arg1, %dma_wait3A_165] : memref<4x4096xf32, #tpu.memory_space<hbm>> -> memref<1x2048xf32, #tpu.memory_space<hbm>>
      %dma_wait3A_167 = tpu.memref_squeeze %dma_wait3A_166 : memref<1x2048xf32, #tpu.memory_space<hbm>> -> memref<2048xf32, #tpu.memory_space<hbm>>
      %dma_wait3A_168 = arith.constant 0 : i32
      %dma_wait3A_169 = tpu.memref_slice %arg4[%arg1, %dma_wait3A_168] : memref<4x4096xf32, #tpu.memory_space<hbm>> -> memref<1x2048xf32, #tpu.memory_space<hbm>>
      %dma_wait3A_170 = tpu.memref_squeeze %dma_wait3A_169 : memref<1x2048xf32, #tpu.memory_space<hbm>> -> memref<2048xf32, #tpu.memory_space<hbm>>
      %dma_wait3A_171 = arith.constant 0 : i32
      %dma_wait3A_172 = tpu.memref_slice %arg7[%dma_wait3A_161, %dma_wait3A_171] : memref<1x4096xf32, #tpu.memory_space<vmem>> -> memref<1x2048xf32, #tpu.memory_space<vmem>>
      %dma_wait3A_173 = tpu.memref_squeeze %dma_wait3A_172 : memref<1x2048xf32, #tpu.memory_space<vmem>> -> memref<2048xf32, #tpu.memory_space<vmem>>
      tpu.wait_dma2 semaphore(%arg8 : memref<!tpu.dma_semaphore, #tpu.memory_space<semaphore_mem>>) src(%dma_wait3A_173 : memref<2048xf32, #tpu.memory_space<vmem>>) dst(%dma_wait3A_170 : memref<2048xf32, #tpu.memory_space<hbm>>)
      %dma_wait3A_174 = arith.constant 0 : i32
      %dma_wait3A_175 = arith.constant 2048 : i32
      %dma_wait3A_176 = tpu.memref_slice %arg7[%dma_wait3A_174, %dma_wait3A_175] : memref<1x4096xf32, #tpu.memory_space<vmem>> -> memref<1x2048xf32, #tpu.memory_space<vmem>>
      %dma_wait3A_177 = tpu.memref_squeeze %dma_wait3A_176 : memref<1x2048xf32, #tpu.memory_space<vmem>> -> memref<2048xf32, #tpu.memory_space<vmem>>
      %dma_wait3A_178 = arith.constant 2048 : i32
      %dma_wait3A_179 = tpu.memref_slice %arg4[%arg1, %dma_wait3A_178] : memref<4x4096xf32, #tpu.memory_space<hbm>> -> memref<1x2048xf32, #tpu.memory_space<hbm>>
      %dma_wait3A_180 = tpu.memref_squeeze %dma_wait3A_179 : memref<1x2048xf32, #tpu.memory_space<hbm>> -> memref<2048xf32, #tpu.memory_space<hbm>>
      %dma_wait3A_181 = arith.constant 2048 : i32
      %dma_wait3A_182 = tpu.memref_slice %arg4[%arg1, %dma_wait3A_181] : memref<4x4096xf32, #tpu.memory_space<hbm>> -> memref<1x2048xf32, #tpu.memory_space<hbm>>
      %dma_wait3A_183 = tpu.memref_squeeze %dma_wait3A_182 : memref<1x2048xf32, #tpu.memory_space<hbm>> -> memref<2048xf32, #tpu.memory_space<hbm>>
      %dma_wait3A_184 = arith.constant 2048 : i32
      %dma_wait3A_185 = tpu.memref_slice %arg7[%dma_wait3A_174, %dma_wait3A_184] : memref<1x4096xf32, #tpu.memory_space<vmem>> -> memref<1x2048xf32, #tpu.memory_space<vmem>>
      %dma_wait3A_186 = tpu.memref_squeeze %dma_wait3A_185 : memref<1x2048xf32, #tpu.memory_space<vmem>> -> memref<2048xf32, #tpu.memory_space<vmem>>
      tpu.wait_dma2 semaphore(%arg9 : memref<!tpu.dma_semaphore, #tpu.memory_space<semaphore_mem>>) src(%dma_wait3A_186 : memref<2048xf32, #tpu.memory_space<vmem>>) dst(%dma_wait3A_183 : memref<2048xf32, #tpu.memory_space<hbm>>)
    } else {
    }
    return
  }
}

</mosaic_0001>

<sc_bundles>
// kernel: kernel.3.cloned.1.call-start
scs
__scs_entry_jumppad:
0x0: {  	(pc) =	sbr.rel $0x88, $3  }
0x1: {  	(tag) =	ssettag $0x0;
	lr =	simm.s32 $0x1  }
0x2: {  	[smem:$0x3F9F] =	sst lr;
	_ =	strace $0xD0000000  }
0x3: {  	_ = 	snop  }
0x4: {  	_ = 	snop  }
0x5: {  	_ = 	snop  }
0x6: {  	_ = 	snop  }
0x7: {  	_ = 	snop  }
__scs_overlays_trampoline_lowered:
0x8: {  	[smem:$0x3FAE] =	sst s0  }
0x9: {  	[smem:$0x3FAF] =	sst s1  }
0xa: {  	[smem:$0x3FB0] =	sst s2  }
0xb: {  	[smem:$0x3FB1] =	sst s3  }
0xc: {  	[smem:$0x3FB2] =	sst s4  }
0xd: {  	[smem:$0x3FB3] =	sst s5  }
0xe: {  	[smem:$0x3FB4] =	sst s6  }
0xf: {  	[smem:$0x3FB5] =	sst s7  }
0x10: {  	[smem:$0x3FB6] =	sst s8  }
0x11: {  	[smem:$0x3FB7] =	sst s9;
	s0 =	simm.s32 @!p0 $0x0  }
0x12: {  	s1 =	sld [smem:$0x3F9D];
	s0 =	simm.s32 @p0 $0x1  }
0x13: {  	[smem:$0x3FB8] =	sst s0;
	s0 =	simm.s32 @!p1 $0x0  }
0x14: {  	s2 =	sld [smem:$0x3F9C];
	s0 =	simm.s32 @p1 $0x1  }
0x15: {  	[smem:$0x3FB9] =	sst s0;
	s0 =	simm.s32 @!p2 $0x0  }
0x16: {  	s3 =	sld [smem:$0x3FDB];
	s0 =	simm.s32 @p2 $0x1  }
0x17: {  	s4 =	simm.s32 $0x1BF5;
	[smem:$0x3FBB] =	sst s0  }
0x18: {  	s0 =	sld [smem:$0x3F9E];
	_ =	swait.ge [sflag:s4], $0x0  }
0x19: {  	s7 =	sld [smem:$0x3F9F]  }
0x1a: {  	s8 =	sadd.s32 $0xFFFFE003, lr  }
0x1b: {  	s9 =	sadd.s32 $0xFFFFFEF7, lr;
	s5 =	simm.s32 $0xFFFFFFFF;
	p2 =	slt.u32 s8, $0xFFFFF086  }
0x1c: {  	p1 =	slt.u32 s9, $0xF7A;
	s5 =	simm.s32 @!p2 $0x0  }
0x1d: {  	s5 =	simm.s32 @p1 $0x1;
	p0 =	seq.s32 s7, s2  }
0x1e: {  	s7 =	smul.u32 @!p0 $0xF7A, s2;
	p2 =	seq.s32 @!p0 s5, $0x0  }
0x1f: {  	s9 =	smul.u32 $0xF7A, s1;
	s8 =	simm.s32 @!p0 $0x1BF5;
	p2 =	por !p2, p0  }
0x20: {  	[sflag:s8] =	ssyncset.s32 @!p0 $0xFFFFF086;
	s6 =	sadd.s32 @!p0 s3, s7;
	s7 =	simm.s32 @!p0 $0x108  }
0x21: {  	s3 =	sadd.s32 s3, s9;
	s6 =	sadd.s32 @!p0 $0x88, s6;
	s7 =	simm.s32 @p2 $0x1082  }
0x22: {  	[simem:s7], [sflag:s8] =	dma.local @!p0 [hbm:s6], $0xF7A  }
0x23: {  	s9 =	sor.u32 $0xD0000000, s2;
	s6 =	simm.s32 $0x108;
	_ =	swait.ge @!p0 [sflag:s8], $0x0  }
0x24: {  	s3 =	sadd.s32 $0x88, s3;
	s6 =	simm.s32 @!p1 $0x1082;
	[sflag:s4] =	ssyncset.s32 $0xFFFFF086  }
0x25: {  	[simem:s6], [sflag:s4] =	dma.local [hbm:s3], $0xF7A  }
0x26: {  	[smem:$0x3F9F] =	sst s1;
	(tag) =	ssettag s2;
	_ =	strace s9  }
0x27: {  	s1 =	sld [smem:$0x3FAF]  }
0x28: {  	s2 =	sld [smem:$0x3FB0]  }
0x29: {  	s4 =	sld [smem:$0x3FB2]  }
0x2a: {  	p0 =	seq.s32 s5, $0x0;
	s5 =	sld [smem:$0x3FB3]  }
0x2b: {  	s6 =	sld [smem:$0x3FB4]  }
0x2c: {  	s7 =	sld [smem:$0x3FB5]  }
0x2d: {  	s3 =	simm.s32 $0x108;
	s8 =	sld [smem:$0x3FB6]  }
0x2e: {  	s3 =	simm.s32 @!p0 $0x1082;
	s9 =	sld [smem:$0x3FB7]  }
0x2f: {  	lr =	sadd.s32 s0, s3;
	s0 =	sld [smem:$0x3FAE]  }
0x30: {  	s3 =	sld [smem:$0x3FB1]  }
0x31: {  	[smem:$0x3FBA] =	sst s10  }
0x32: {  	s10 =	sld [smem:$0x3FB8];
	_ =	sdelay $0x3  }
0x33: {  	p0 =	seq.s32 s10, $0x1;
	s10 =	sld [smem:$0x3FBA];
	_ =	sdelay $0x3  }
0x34: {  	[smem:$0x3FBA] =	sst s10  }
0x35: {  	s10 =	sld [smem:$0x3FB9];
	_ =	sdelay $0x3  }
0x36: {  	p1 =	seq.s32 s10, $0x1;
	s10 =	sld [smem:$0x3FBA];
	_ =	sdelay $0x3  }
0x37: {  	[smem:$0x3FBA] =	sst s10  }
0x38: {  	s10 =	sld [smem:$0x3FBB]  }
0x39: {  	_ = 	snop;
	(pc) =	sbr.ind lr, $3  }
0x3a: {  	_ = 	snop  }
0x3b: {  	_ = 	snop  }
0x3c: {  	p2 =	seq.s32 s10, $0x1;
	s10 =	sld [smem:$0x3FBA]  }
0x3d: {  	_ =	shalt  }
0x3e: {  	_ =	shalt  }
0x3f: {  	_ =	shalt  }
0x40: {  	_ =	shalt  }
0x41: {  	_ =	shalt  }
0x42: {  	_ =	shalt  }
0x43: {  	_ =	shalt  }
0x44: {  	_ =	shalt  }
0x45: {  	_ =	shalt  }
0x46: {  	_ =	shalt  }
0x47: {  	_ =	shalt  }
0x48: {  	_ =	shalt  }
0x49: {  	_ =	shalt  }
0x4a: {  	_ =	shalt  }
0x4b: {  	_ =	shalt  }
0x4c: {  	_ =	shalt  }
0x4d: {  	_ =	shalt  }
0x4e: {  	_ =	shalt  }
0x4f: {  	_ =	shalt  }
0x50: {  	_ =	shalt  }
0x51: {  	_ =	shalt  }
0x52: {  	_ =	shalt  }
0x53: {  	_ =	shalt  }
0x54: {  	_ =	shalt  }
0x55: {  	_ =	shalt  }
0x56: {  	_ =	shalt  }
0x57: {  	_ =	shalt  }
0x58: {  	_ =	shalt  }
0x59: {  	_ =	shalt  }
0x5a: {  	_ =	shalt  }
0x5b: {  	_ =	shalt  }
0x5c: {  	_ =	shalt  }
0x5d: {  	_ =	shalt  }
0x5e: {  	_ =	shalt  }
0x5f: {  	_ =	shalt  }
0x60: {  	_ =	shalt  }
0x61: {  	_ =	shalt  }
0x62: {  	_ =	shalt  }
0x63: {  	_ =	shalt  }
0x64: {  	_ =	shalt  }
0x65: {  	_ =	shalt  }
0x66: {  	_ =	shalt  }
0x67: {  	_ =	shalt  }
0x68: {  	_ =	shalt  }
0x69: {  	_ =	shalt  }
0x6a: {  	_ =	shalt  }
0x6b: {  	_ =	shalt  }
0x6c: {  	_ =	shalt  }
0x6d: {  	_ =	shalt  }
0x6e: {  	_ =	shalt  }
0x6f: {  	_ =	shalt  }
0x70: {  	_ =	shalt  }
0x71: {  	_ =	shalt  }
0x72: {  	_ =	shalt  }
0x73: {  	_ =	shalt  }
0x74: {  	_ =	shalt  }
0x75: {  	_ =	shalt  }
0x76: {  	_ =	shalt  }
0x77: {  	_ =	shalt  }
0x78: {  	_ =	shalt  }
0x79: {  	_ =	shalt  }
0x7a: {  	_ =	shalt  }
0x7b: {  	_ =	shalt  }
0x7c: {  	_ =	shalt  }
0x7d: {  	_ =	shalt  }
0x7e: {  	_ =	shalt  }
0x7f: {  	_ =	shalt  }
0x80: {  	_ =	shalt  }
0x81: {  	_ =	shalt  }
0x82: {  	_ =	shalt  }
0x83: {  	_ =	shalt  }
0x84: {  	_ =	shalt  }
0x85: {  	_ =	shalt  }
0x86: {  	_ =	shalt  }
0x87: {  	_ =	shalt  }
.Lfunc_end0:
.L_simem_size_0:
called_computation_lowered:
.L_overlay_start_0:
0x88: {  	s0 =	sld [smem:$0x3FD9]  }
0x89: {  	s1 =	sld [smem:$0x3FFE];
	_ =	sdelay $0x3  }
0x8a: {  	s0 =	sadd.s32 s1, s0  }
0x8b: {  	[smem:$0x3FC6] =	sst s0  }
0x8c: {  	_ = 	snop  }
0x8d: {  	s0 =	sld [smem:$0x3FC9]  }
0x8e: {  	s17 =	sld [smem:$0x3FC8]  }
0x8f: {  	s2 =	sld [smem:$0x3FD0];
	(tm) =	ssettm $0x1  }
0x90: {  	s3 =	sld [smem:$0x3FFB];
	_ =	sdelay $0x3  }
0x91: {  	_ =	strace s3  }
0x92: {  	s3 =	sld [smem:$0x3FFC];
	_ =	sdelay $0x3  }
0x93: {  	_ =	strace s3  }
0x94: {  	s3 =	sld [smem:$0x3FFD];
	_ =	sdelay $0x3  }
0x95: {  	_ =	strace s3  }
0x96: {  	_ =	strace $0x8FFFFFFF  }
0x97: {  	s18 =	sld [smem:$0x3FDB];
	_ =	sdelay $0x1  }
0x98: {  	s4 =	simm.s32 $_scs_section_size  }
0x99: {  	s5 =	simm.s32 $_size__tile_overlayer_lowered;
	s6 =	simm.s32 $_tile_overlayer_lowered  }
0x9a: {  	s21 =	simm.s32 $0x1BFF;
	s20 =	sshll.u32 s6, $0x1;
	s3 =	sadd.s32 s4, s18  }
0x9b: {  	s7 =	simm.s32 $0x0;
	s19 =	sshll.u32 s5, $0x1;
	s5 =	sadd.s32 s20, s3  }
0x9c: {  	[timem:s7], [sflag:s21] =	dma.local [hbm:s5], s19  }
0x9d: {  	_ =	swait.ge [sflag:s21], s19  }
0x9e: {  	s4 =	ssub.s32 $0x0, s19;
	[sflag:s21] =	ssyncset.done $0x0  }
0x9f: {  	[sflag:s21] =	ssyncadd.s32 s4;
	_ =	sdelay $0x1  }
0xa0: {  	s22 =	simm.s32 $0x1B8B  }
0xa1: {  	_ =	swait.ge [sflag:s22], $0x1  }
0xa2: {  	[sflag:s22] =	ssyncset.done $0x0  }
0xa3: {  	s23 =	simm.s32 $0x1B8E;
	[sflag:s22] =	ssyncadd.s32 $0xFFFFFFFF  }
0xa4: {  	s24 =	simm.s32 $execute0_lowered;
	[smem:$0x3FD2] =	sst s23  }
0xa5: {  	s4 =	sshll.u32 s24, $0x1;
	_ =	strace $0x80000046;
	[dreg:$0x1] =	wrdreg $0xFFFFFFFF  }
0xa6: {  	s25 =	simm.s32 $_size_execute0_lowered;
	s3 =	sadd.s32 s3, s4;
	[dreg:$0x0] =	wrdreg $0x0  }
0xa7: {  	s4 =	sshll.u32 s25, $0x1;
	[dreg:$0x2] =	wrdreg s3  }
0xa8: {  	[dreg:$0x3] =	wrdreg s4  }
0xa9: {  	[dreg:$0x4] =	wrdreg $0xC0  }
0xaa: {  	_ =	task [dreg:s7], $0x5FFFF  }
0xab: {  	[dreg:$0x1] =	wrdreg $0xFFFFFFFF  }
0xac: {  	[dreg:$0x0] =	wrdreg $0x60  }
0xad: {  	[dreg:$0x2] =	wrdreg s0  }
0xae: {  	[dreg:$0x3] =	wrdreg s17  }
0xaf: {  	[dreg:$0x4] =	wrdreg s2  }
0xb0: {  	[dreg:$0x5] =	wrdreg $0x9  }
0xb1: {  	_ =	task.clear_ibuf [dreg:s7], $0x6FFFF;
	_ =	strace $0x90000046  }
0xb2: {  	s26 =	simm.s32 $0x9;
	_ =	strace $0x80000048  }
0xb3: {  	_ =	swait.ge [sflag:s26], $0x1  }
0xb4: {  	[sflag:s26] =	ssyncadd.s32 $0xFFFFFFFF  }
0xb5: {  	_ =	strace $0x90000048  }
0xb6: {  	_ =	sfence  }
0xb7: {  	s28 =	sld [smem:$0x0];
	_ =	sdelay $0x1  }
0xb8: {  	s29 =	srdreg.scid  }
0xb9: {  	s30 =	sshll.u32 s29, $0xD;
	s31 =	sshrl.u32 s29, $0x2  }
0xba: {  	s1 =	sand.u32 $0x1, s29;
	s2 =	sand.u32 $0x4000, s30;
	s0 =	sadd.s32 s31, s28  }
0xbb: {  	s1 =	sor.u32 s2, s1;
	s0 =	sshll.u32 s0, $0x11  }
0xbc: {  	s0 =	sor.u32 s0, s1  }
0xbd: {  	s0 =	sadd.s32 $0x8F2B, s0  }
0xbe: {  	[sflag:s0] =	ssyncadd.remote.s32 $0x1  }
0xbf: {  	_ =	sfence.sel $0xFFFF  }
0xc0: {  	[dreg:$0x0] =	wrdreg $0xFFFFFFFF;
	(pc) =	sbr.abs _section_cstart, $3  }
0xc1: {  	[dreg:$0x1] =	wrdreg $0xFFFFFFFF  }
0xc2: {  	_ =	task.clear_ibuf [dreg:s7], $0x2FFFF;
	_ =	strace $0x9FFFFFFF  }
0xc3: {  	(tm) =	ssettm $0x7FFFFFFF  }
tec
execute0_lowered:
.L_overlay_start_1:
0x0: {  	(tag) =	ssettag $0x1  }
0x1: {  	s1 =	stileid.u32  }
0x2: {  	p0 =	sgt.u32 s1, $0x3  }
.Ltmp0:
0x3: {  	s3 =	rddreg [dreg:$0x0];
	(pc) =	sbr.rel @p0 .LBB2_6-.Ltmp0, $4  }
0x4: {  	s4 =	rddreg [dreg:$0x1]  }
0x5: {  	s2 =	rddreg [dreg:$0x2];
	s5 =	simm.s32 $0x0  }
0x6: {  	[smem:$0x7FF] =	sst s5  }
0x7: {  	s0 =	rddreg [dreg:$0x3];
	_ =	strace $0x80000047  }
0x8: {  	s6 =	sshll.u32 s1, $0x4;
	s9 =	simm.s32 $0x80  }
0x9: {  	s10 =	simm.s32 $0x200;
	s7 =	sadd.s32 s4, s6;
	s8 =	sor.u32 $0x400, s6  }
0xa: {  	[tilespmem:s5], [sflag:$0x1] =	stream.strided.gather [hbm4b:s7+s9], $0x800, s10, s9, $0x38;
	[tilespmem:$0x2080] =	vst v63  }
0xb: {  	s21 =	simm.s32 $0x800;
	s22 =	simm.s32 $0x1;
	s20 =	sadd.s32 s4, s8  }
0xc: {  	[tilespmem:s21], [sflag:$0x2] =	stream.strided.gather [hbm4b:s20+s9], $0x800, s10, s9, $0x38;
	[tilespmem:$0x2080] =	vst v63  }
0xd: {  	_ =	swait.ge [sflag:s22], $0x800  }
0xe: {  	[sflag:s22] =	ssyncset.done $0x0  }
0xf: {  	s23 =	simm.s32 $0x40;
	[sflag:s22] =	ssyncadd.s32 $0xFFFFF800  }
0x10: {  	v1 =	vld [tilespmem:s23+$0xFFFFFFC0];
	_ =	sdelay $0x1  }
0x11: {  	v2 =	vld [tilespmem:s23+$0xFFFFFFD0];
	_ =	sdelay $0x1  }
0x12: {  	v0 =	vlaneseq.u32;
	s24 =	simm.s32 $0x0;
	v3 =	vld [tilespmem:s23+$0xFFFFFFE0]  }
0x13: {  	v4 =	vor.u32 s24, v0;
	vm0 =	veq.s32 v1, $0x0  }
0x14: {  	s25 =	simm.s32 $0x10;
	v5 =	vld [tilespmem:s23+$0xFFFFFFF0];
	v1 =	vimm.s32 $0x40000000;
	v4 =	vnsel vm0, $0x40000000, v4  }
0x15: {  	v6 =	vor.u32 s25, v0;
	vm1 =	veq.s32 v2, $0x0;
	vm0 =	vlt.s32 v1, v4  }
0x16: {  	s26 =	simm.s32 $0x20;
	v2 =	vnsel vm1, $0x40000000, v6;
	v1 =	vsel vm0, v1, v4;
	v4 =	vld [tilespmem:s23+$0x0]  }
0x17: {  	v6 =	vor.u32 s26, v0;
	vm1 =	veq.s32 v3, $0x0;
	vm0 =	vlt.s32 v1, v2  }
0x18: {  	s28 =	simm.s32 $0x30;
	v1 =	vsel vm0, v1, v2;
	v2 =	vnsel vm1, $0x40000000, v6;
	v6 =	vld [tilespmem:s23+$0x10]  }
0x19: {  	v3 =	vor.u32 s28, v0;
	vm1 =	veq.s32 v5, $0x0;
	vm0 =	vlt.s32 v1, v2  }
0x1a: {  	s29 =	sshll.u32 s1, $0x15;
	s30 =	simm.s32 $0x40;
	v3 =	vnsel vm1, $0x40000000, v3;
	v2 =	vsel vm0, v1, v2;
	v1 =	vld [tilespmem:s23+$0x20]  }
0x1b: {  	s31 =	simm.s32 $0x50;
	s5 =	sadd.s32 s3, s29;
	v5 =	vor.u32 s30, v0;
	vm0 =	vlt.s32 v2, v3;
	vm1 =	veq.s32 v4, $0x0  }
0x1c: {  	s3 =	sadd.s32 s2, s6;
	s2 =	sadd.s32 s2, s8;
	s7 =	simm.s32 $0x70;
	v3 =	vsel vm0, v2, v3;
	v4 =	vnsel vm1, $0x40000000, v5;
	v2 =	vld [tilespmem:s23+$0x30]  }
0x1d: {  	s6 =	simm.s32 $0x0;
	s8 =	simm.s32 $0xC0;
	s4 =	sadd.s32 $0x800, s5;
	v5 =	vor.u32 s31, v0;
	vm0 =	vlt.s32 v3, v4;
	vm1 =	veq.s32 v6, $0x0  }
.LBB2_2:
0x1e: {  	v6 =	vld [tilespmem:s8+$0xFFFFFFC0];
	s6 =	sadd.s32 $0x8, s6;
	v3 =	vsel vm0, v3, v4;
	v4 =	vnsel vm1, $0x40000000, v5;
	s9 =	sadd.s32 $0xFFFFFFF0, s7  }
0x1f: {  	p0 =	slt.u32 s6, $0x78;
	vm0 =	vlt.s32 v3, v4;
	v5 =	vor.u32 s9, v0;
	vm1 =	veq.s32 v1, $0x0  }
0x20: {  	v1 =	vld [tilespmem:s8+$0xFFFFFFD0];
	v3 =	vsel vm0, v3, v4;
	v4 =	vnsel vm1, $0x40000000, v5  }
0x21: {  	v5 =	vor.u32 s7, v0;
	s7 =	sadd.s32 $0x80, s7;
	vm0 =	vlt.s32 v3, v4;
	vm1 =	veq.s32 v2, $0x0  }
0x22: {  	s9 =	sadd.s32 $0xFFFFFF90, s7;
	v2 =	vld [tilespmem:s8+$0xFFFFFFE0];
	v3 =	vsel vm0, v3, v4;
	v4 =	vnsel vm1, $0x40000000, v5  }
0x23: {  	v5 =	vor.u32 s9, v0;
	vm0 =	veq.s32 v6, $0x0;
	vm1 =	vlt.s32 v3, v4  }
0x24: {  	s9 =	sadd.s32 $0xFFFFFFA0, s7;
	v5 =	vnsel vm0, $0x40000000, v5;
	v6 =	vld [tilespmem:s8+$0xFFFFFFF0];
	v3 =	vsel vm1, v3, v4  }
0x25: {  	v4 =	vor.u32 s9, v0;
	vm0 =	vlt.s32 v3, v5;
	vm1 =	veq.s32 v1, $0x0  }
0x26: {  	s9 =	sadd.s32 $0xFFFFFFB0, s7;
	v1 =	vsel vm0, v3, v5;
	v3 =	vnsel vm1, $0x40000000, v4;
	v4 =	vld [tilespmem:s8+$0x0]  }
0x27: {  	v5 =	vor.u32 s9, v0;
	vm0 =	vlt.s32 v1, v3;
	vm1 =	veq.s32 v2, $0x0  }
0x28: {  	s9 =	sadd.s32 $0xFFFFFFC0, s7;
	v1 =	vsel vm0, v1, v3;
	v2 =	vnsel vm1, $0x40000000, v5;
	v7 =	vld [tilespmem:s8+$0x10]  }
.Ltmp1:
0x29: {  	v3 =	vor.u32 s9, v0;
	vm0 =	vlt.s32 v1, v2;
	vm1 =	veq.s32 v6, $0x0;
	(pc) =	sbr.rel @p0 .LBB2_2-.Ltmp1, $4  }
0x2a: {  	s9 =	sadd.s32 $0xFFFFFFD0, s7;
	v2 =	vsel vm0, v1, v2;
	v3 =	vnsel vm1, $0x40000000, v3;
	v1 =	vld [tilespmem:s8+$0x20]  }
0x2b: {  	v5 =	vor.u32 s9, v0;
	vm0 =	vlt.s32 v2, v3;
	vm1 =	veq.s32 v4, $0x0  }
0x2c: {  	s9 =	sadd.s32 $0xFFFFFFE0, s7;
	v3 =	vsel vm0, v2, v3;
	v4 =	vnsel vm1, $0x40000000, v5;
	v2 =	vld [tilespmem:s8+$0x30]  }
0x2d: {  	v5 =	vor.u32 s9, v0;
	s8 =	sadd.s32 $0x80, s8;
	vm0 =	vlt.s32 v3, v4;
	vm1 =	veq.s32 v7, $0x0  }
0x2e: {  	s6 =	simm.s32 $0x2  }
0x2f: {  	_ =	swait.ge [sflag:s6], $0x800  }
0x30: {  	[sflag:s6] =	ssyncset.done $0x0  }
0x31: {  	[sflag:s6] =	ssyncadd.s32 $0xFFFFF800;
	s6 =	simm.s32 $0x870  }
0x32: {  	v3 =	vsel vm0, v3, v4;
	v4 =	vnsel vm1, $0x40000000, v5;
	s8 =	sadd.s32 $0xFFFFFFF0, s7;
	v5 =	vld [tilespmem:s6+$0xFFFFFF90]  }
0x33: {  	vm0 =	vlt.s32 v3, v4;
	v6 =	vor.u32 s8, v0;
	vm1 =	veq.s32 v1, $0x0  }
0x34: {  	v1 =	vsel vm0, v3, v4;
	v3 =	vnsel vm1, $0x40000000, v6;
	v4 =	vld [tilespmem:s6+$0xFFFFFFA0]  }
0x35: {  	v0 =	vor.u32 s7, v0;
	vm0 =	vlt.s32 v1, v3;
	vm1 =	veq.s32 v2, $0x0  }
0x36: {  	s25 =	simm.s32 $0x800;
	v1 =	vsel vm0, v1, v3;
	v2 =	vnsel vm1, $0x40000000, v0;
	v0 =	vlaneseq.u32;
	v3 =	vld [tilespmem:s6+$0xFFFFFFB0]  }
0x37: {  	vm0 =	vlt.s32 v1, v2;
	v6 =	vor.u32 s25, v0;
	vm1 =	veq.s32 v5, $0x0  }
0x38: {  	s26 =	simm.s32 $0x810;
	v1 =	vsel vm0, v1, v2;
	v5 =	vld [tilespmem:s6+$0xFFFFFFC0];
	v2 =	vnsel vm1, $0x40000000, v6  }
0x39: {  	v6 =	vor.u32 s26, v0;
	vm1 =	veq.s32 v4, $0x0;
	vm0 =	vlt.s32 v1, v2  }
0x3a: {  	s28 =	simm.s32 $0x820;
	v4 =	vld [tilespmem:s6+$0xFFFFFFD0];
	v1 =	vsel vm0, v1, v2;
	v2 =	vnsel vm1, $0x40000000, v6  }
0x3b: {  	v6 =	vor.u32 s28, v0;
	vm1 =	veq.s32 v3, $0x0;
	vm0 =	vlt.s32 v1, v2  }
0x3c: {  	s29 =	simm.s32 $0x830;
	v1 =	vsel vm0, v1, v2;
	v2 =	vnsel vm1, $0x40000000, v6;
	v6 =	vld [tilespmem:s6+$0xFFFFFFE0]  }
0x3d: {  	v3 =	vor.u32 s29, v0;
	vm1 =	veq.s32 v5, $0x0;
	vm0 =	vlt.s32 v1, v2  }
0x3e: {  	s30 =	simm.s32 $0x840;
	v3 =	vnsel vm1, $0x40000000, v3;
	v1 =	vsel vm0, v1, v2;
	v2 =	vld [tilespmem:s6+$0xFFFFFFF0]  }
0x3f: {  	v5 =	vor.u32 s30, v0;
	vm1 =	veq.s32 v4, $0x0;
	vm0 =	vlt.s32 v1, v3  }
0x40: {  	s31 =	simm.s32 $0x850;
	v4 =	vnsel vm1, $0x40000000, v5;
	v3 =	vsel vm0, v1, v3;
	v1 =	vld [tilespmem:s6+$0x0]  }
0x41: {  	s7 =	simm.s32 $0x80;
	s8 =	simm.s32 $0x8F0;
	v5 =	vor.u32 s31, v0;
	vm0 =	vlt.s32 v3, v4;
	vm1 =	veq.s32 v6, $0x0  }
.LBB2_4:
0x42: {  	v6 =	vld [tilespmem:s8+$0xFFFFFF90];
	s7 =	sadd.s32 $0x8, s7;
	v3 =	vsel vm0, v3, v4;
	v4 =	vnsel vm1, $0x40000000, v5;
	s9 =	sadd.s32 $0xFFFFFFF0, s6  }
0x43: {  	p0 =	slt.u32 s7, $0xF8;
	vm0 =	vlt.s32 v3, v4;
	v5 =	vor.u32 s9, v0;
	vm1 =	veq.s32 v2, $0x0  }
0x44: {  	v2 =	vld [tilespmem:s8+$0xFFFFFFA0];
	v3 =	vsel vm0, v3, v4;
	v4 =	vnsel vm1, $0x40000000, v5  }
0x45: {  	v5 =	vor.u32 s6, v0;
	s6 =	sadd.s32 $0x80, s6;
	vm0 =	vlt.s32 v3, v4;
	vm1 =	veq.s32 v1, $0x0  }
0x46: {  	s9 =	sadd.s32 $0xFFFFFF90, s6;
	v1 =	vld [tilespmem:s8+$0xFFFFFFB0];
	v3 =	vsel vm0, v3, v4;
	v4 =	vnsel vm1, $0x40000000, v5  }
0x47: {  	v5 =	vor.u32 s9, v0;
	vm0 =	veq.s32 v6, $0x0;
	vm1 =	vlt.s32 v3, v4  }
0x48: {  	s9 =	sadd.s32 $0xFFFFFFA0, s6;
	v5 =	vnsel vm0, $0x40000000, v5;
	v6 =	vld [tilespmem:s8+$0xFFFFFFC0];
	v3 =	vsel vm1, v3, v4  }
0x49: {  	v4 =	vor.u32 s9, v0;
	vm0 =	vlt.s32 v3, v5;
	vm1 =	veq.s32 v2, $0x0  }
0x4a: {  	s9 =	sadd.s32 $0xFFFFFFB0, s6;
	v2 =	vsel vm0, v3, v5;
	v3 =	vnsel vm1, $0x40000000, v4;
	v4 =	vld [tilespmem:s8+$0xFFFFFFD0]  }
0x4b: {  	v5 =	vor.u32 s9, v0;
	vm0 =	vlt.s32 v2, v3;
	vm1 =	veq.s32 v1, $0x0  }
0x4c: {  	s9 =	sadd.s32 $0xFFFFFFC0, s6;
	v1 =	vsel vm0, v2, v3;
	v2 =	vnsel vm1, $0x40000000, v5;
	v7 =	vld [tilespmem:s8+$0xFFFFFFE0]  }
.Ltmp2:
0x4d: {  	v3 =	vor.u32 s9, v0;
	vm0 =	vlt.s32 v1, v2;
	vm1 =	veq.s32 v6, $0x0;
	(pc) =	sbr.rel @p0 .LBB2_4-.Ltmp2, $4  }
0x4e: {  	s9 =	sadd.s32 $0xFFFFFFD0, s6;
	v1 =	vsel vm0, v1, v2;
	v3 =	vnsel vm1, $0x40000000, v3;
	v2 =	vld [tilespmem:s8+$0xFFFFFFF0]  }
0x4f: {  	v5 =	vor.u32 s9, v0;
	vm0 =	vlt.s32 v1, v3;
	vm1 =	veq.s32 v4, $0x0  }
0x50: {  	s9 =	sadd.s32 $0xFFFFFFE0, s6;
	v3 =	vsel vm0, v1, v3;
	v4 =	vnsel vm1, $0x40000000, v5;
	v1 =	vld [tilespmem:s8+$0x0]  }
0x51: {  	v5 =	vor.u32 s9, v0;
	s8 =	sadd.s32 $0x80, s8;
	vm0 =	vlt.s32 v3, v4;
	vm1 =	veq.s32 v7, $0x0  }
0x52: {  	v3 =	vsel vm0, v3, v4  }
0x53: {  	v37 =	vnsel vm1, $0x40000000, v5;
	v40 =	vimm.s32 $0xFEDCBA98;
	v42 =	vimm.s32 $0x76543210  }
0x54: {  	v43 =	vor.u32 s6, v0;
	v46 =	vimm.s32 $0xBA98FEDC;
	vm0 =	vlt.s32 v3, v37  }
0x55: {  	s7 =	sadd.s32 $0xFFFFFFF0, s6;
	v47 =	vimm.s32 $0x32107654;
	v39 =	vsel vm0, v3, v37;
	v3 =	vunpack.c.l.s4.s8 v40  }
0x56: {  	v38 =	vor.u32 s7, v0;
	vm12 =	veq.s32 v2, $0x0;
	v5 =	vunpack.c.l.s4.s8 v42  }
0x57: {  	v48 =	vunpack.c.l.s4.s8 v46;
	v41 =	vnsel vm12, $0x40000000, v38;
	v44 =	vunpack.c.0.s8.s32 v3  }
0x58: {  	vm0 =	vlt.s32 v39, v41;
	vm13 =	veq.s32 v1, $0x0;
	v45 =	vunpack.c.0.s8.s32 v5  }
0x59: {  	v2 =	vsel vm0, v39, v41;
	v0 =	vnsel vm13, $0x40000000, v43;
	v1 =	vand.u32 $0xF, v44  }
0x5a: {  	v49 =	vunpack.c.l.s4.s8 v47;
	vm0 =	vlt.s32 v2, v0;
	v1 =	vcombine.low v1, v45  }
0x5b: {  	v50 =	vimm.s32 $0xDCFE98BA;
	v0 =	vsel vm0, v2, v0  }
0x5c: {  	v3 =	vunpack.c.0.s8.s32 v49;
	v2 =	vunpack.c.0.s8.s32 v48;
	v1 =	vperm.xlane v0, v1  }
0x5d: {  	v51 =	vimm.s32 $0x54761032;
	v52 =	vunpack.c.l.s4.s8 v50  }
0x5e: {  	v53 =	vunpack.c.l.s4.s8 v51;
	v2 =	vcombine.low v3, v2;
	vm0 =	vlt.s32 v0, v1  }
0x5f: {  	v54 =	vimm.s32 $0xEFCDAB89;
	v0 =	vsel vm0, v0, v1  }
0x60: {  	v3 =	vunpack.c.0.s8.s32 v53;
	v1 =	vunpack.c.0.s8.s32 v52;
	v2 =	vperm.xlane v0, v2  }
0x61: {  	v55 =	vimm.s32 $0x67452301;
	v56 =	vunpack.c.l.s4.s8 v54  }
0x62: {  	v57 =	vunpack.c.l.s4.s8 v55;
	v1 =	vcombine.low v3, v1;
	vm0 =	vlt.s32 v0, v2  }
0x63: {  	v0 =	vsel vm0, v0, v2  }
0x64: {  	v58 =	vunpack.c.0.s8.s32 v56;
	v59 =	vunpack.c.0.s8.s32 v57;
	v1 =	vperm.xlane v0, v1;
	_ =	sdelay $0x1  }
0x65: {  	v2 =	vcombine.low v59, v58;
	vm0 =	vlt.s32 v0, v1  }
0x66: {  	v0 =	vsel vm0, v0, v1  }
0x67: {  	v1 =	vperm.xlane v0, v2;
	_ =	sdelay $0x1  }
0x68: {  	vm0 =	vlt.s32 v0, v1  }
0x69: {  	v0 =	vsel vm0, v0, v1  }
0x6a: {  	vm0 =	veq.s32 v0, $0x0;
	vm14 =	vgt.s32 v0, $0xFFF  }
0x6b: {  	v0 =	vadd.s32 $0xFFFFFFFF, v0;
	vm0 =	vmor vm0, vm14  }
0x6c: {  	v0 =	vsel vm0, $0xFFF, v0  }
0x6d: {  	[tilespmem:$0x1000] =	vst v0  }
0x6e: {  	v0 =	vld.msk [tilespmem:$0x1000], $0x1;
	_ =	sdelay $0x4  }
0x6f: {  	v60 =	vshll.u32 v0, $0x5  }
0x70: {  	v0 =	vand.u32 $0x7, v0;
	v1 =	vand.u32 $0xFFFFFF00, v60  }
0x71: {  	v61 =	vimm.s32 $0x0;
	v62 =	vlaneseq.u32;
	v0 =	vor.u32 v0, v1  }
0x72: {  	v1 =	vmul.u32 $0x8, v62;
	v0 =	vperm.xlane v0, v61;
	_ =	sdelay $0x1  }
0x73: {  	v0 =	vadd.s32 v1, v0;
	_ =	sdelay $0x3  }
0x74: {  	vm15 =	vmmov $0xffff;
	s25 =	simm.s32 $0x0;
	s26 =	simm.s32 $0x1080  }
0x75: {  	[tilespmem:s26], [sflag:$0x1] =	stream.indirect_vreg.gather [hbm4b:s5+s25], $0x80, v0, vm15, $0xb8;
	[tilespmem:$0x2080] =	vst v63  }
0x76: {  	v0 =	vld.msk [tilespmem:$0x1000], $0x1;
	_ =	sdelay $0x4  }
0x77: {  	v63 =	vshll.u32 v0, $0x5  }
0x78: {  	v0 =	vand.u32 $0x7, v0;
	v3 =	vand.u32 $0xFFFFFF00, v63  }
0x79: {  	v0 =	vor.u32 v0, v3  }
0x7a: {  	v0 =	vperm.xlane v0, v61;
	_ =	sdelay $0x1  }
0x7b: {  	v0 =	vadd.s32 v1, v0;
	_ =	sdelay $0x3  }
0x7c: {  	s28 =	simm.s32 $0x1880;
	s29 =	simm.s32 $0x1  }
0x7d: {  	[tilespmem:s28], [sflag:$0x2] =	stream.indirect_vreg.gather [hbm4b:s4+s25], $0x80, v0, vm15, $0xb8;
	[tilespmem:$0x2080] =	vst v63  }
0x7e: {  	_ =	swait.ge [sflag:s29], $0x800  }
0x7f: {  	s30 =	simm.s32 $0x80;
	[sflag:s29] =	ssyncset.done $0x0  }
0x80: {  	s8 =	simm.s32 $0x200;
	s31 =	simm.s32 $0x2;
	[sflag:s29] =	ssyncadd.s32 $0xFFFFF800  }
0x81: {  	[hbm4b:s3+s30] =	stream.strided.scatter [tilespmem:s26], [sflag:$0x1], $0x800, s8, s30, $0x38;
	[tilespmem:$0x2080] =	vst v63  }
0x82: {  	_ =	swait.ge [sflag:s31], $0x800  }
0x83: {  	[sflag:s31] =	ssyncset.done $0x0  }
0x84: {  	[sflag:s31] =	ssyncadd.s32 $0xFFFFF800  }
0x85: {  	[hbm4b:s2+s30] =	stream.strided.scatter [tilespmem:s28], [sflag:$0x2], $0x800, s8, s30, $0x38;
	[tilespmem:$0x2080] =	vst v63  }
0x86: {  	_ =	swait.ge [sflag:s29], $0x800  }
0x87: {  	[sflag:s29] =	ssyncset.done $0x0  }
0x88: {  	[sflag:s29] =	ssyncadd.s32 $0xFFFFF800  }
0x89: {  	_ =	swait.ge [sflag:s31], $0x800  }
0x8a: {  	[sflag:s31] =	ssyncset.done $0x0  }
0x8b: {  	[sflag:s31] =	ssyncadd.s32 $0xFFFFF800  }
.LBB2_6:
0x8c: {  	_ =	sfence.sel $0x180000  }
0x8d: {  	[bflag:$0x0] =	sbarrier.arrive $0xFFFF  }
0x8e: {  	p0 =	sne.s32 s1, $0x0;
	_ =	strace $0x90000047  }
0x8f: {  	s0 =	sadd.s32 @!p0 $0x100000, s0;
	[bflag:$0x2] =	sbarrier.arrive $0xFFFF  }
0x90: {  	[sflag:s0] =	ssyncadd.tile.s32 @!p0 $0x1;
	_ =	shalt  }
.Lfunc_end2:
_tile_overlayer_lowered:
.L_overlay_start_2:
0x91: {  	(tag) =	ssettag $0x2  }
0x92: {  	s0 =	rddreg [dreg:$0x0];
	s2 =	stileid.u32  }
0x93: {  	s1 =	rddreg [dreg:$0x1];
	p0 =	sne.s32 s2, $0x0  }
0x94: {  	s3 =	rddreg [dreg:$0x2];
	[bflag:$0x3] =	sbarrier.arrive $0xFFFF;
	s2 =	simm.s32 @!p0 $0x1C03  }
0x95: {  	[timem:s3], [sflag:s2] =	dma.local @!p0 [hbm:s0], s1  }
0x96: {  	s0 =	simm.s32 @!p0 $0x3  }
0x97: {  	_ =	swait.ge @!p0 [sflag:s0], s1  }
0x98: {  	s1 =	ssub.s32 @!p0 $0x0, s1;
	[sflag:s0] =	ssyncset.done @!p0 $0x0  }
0x99: {  	[sflag:s0] =	ssyncadd.s32 @!p0 s1  }
0x9a: {  	[bflag:$0x3] =	sbarrier.arrive $0xFFFF  }
0x9b: {  	_ =	shalt  }

</sc_bundles>
